<compile_context>
chip_gen: v7x
topology: tpu7x:2x2x1
jax: 0.10.2.dev20260603
libtpu: 0.0.44.dev20260713+nightly
codegen_flags: <defaults>
</compile_context>

<pallas_src>
import functools

import jax
import jax.numpy as jnp
from jax import lax
from jax.experimental import pallas as pl
from jax.experimental.pallas import tpu as pltpu
from jax.experimental.pallas import tpu_sc as plsc

_B = 4096
_D = 32
_DW = 128
_LLANE = 32
_NSUB = 3
_NC = 3000
_NCP = 3072
_MARGIN = 1.0
_BX = 1024
_BC = 768
_BD = 384
_NS1 = _B // _BX
_KPAD = 40
_NEG = -1e30


def _augment(rows, b):
    n = rows.shape[0]
    parts = [rows + rows, b, jnp.ones((n, 1), jnp.float32)]
    if _KPAD > _D + 2:
        parts.append(jnp.zeros((n, _KPAD - _D - 2), jnp.float32))
    return jnp.concatenate(parts, axis=1)


def _tc_body(x_ref, cfull_ref, crows_ref, cb_ref, pfull_ref,
             pdiag_ref, out_ref, caug_s, q_s, acc_s):
    g = pl.program_id(0)
    ones_row = jnp.ones((1, _D), jnp.float32)

    @pl.when(g == 0)
    def _init():
        cfull = cfull_ref[:, :_D]
        c2_full = lax.dot_general(ones_row, cfull * cfull,
                                  (((1,), (1,)), ((), ())),
                                  preferred_element_type=jnp.float32)
        present = jnp.max(pfull_ref[...], axis=0, keepdims=True)
        colid = lax.broadcasted_iota(jnp.int32, (1, _NCP), 1)
        colcls = colid // _NSUB
        q_s[...] = jnp.where(present > 0.5, colcls, -1)
        negc2 = jnp.where(colid < _NC, -c2_full, _NEG)
        cparts = [cfull, jnp.ones((_NCP, 1), jnp.float32),
                  negc2.reshape(_NCP, 1)]
        if _KPAD > _D + 2:
            cparts.append(jnp.zeros((_NCP, _KPAD - _D - 2), jnp.float32))
        caug_s[...] = jnp.concatenate(cparts, axis=1)
        out_ref[0] = 0.0
        out_ref[1] = 0.0
        out_ref[2] = 0.0
        out_ref[3] = 0.0

    caug = caug_s[...]
    q = q_s[...]

    xb = x_ref[...]
    cbw = cb_ref[...]
    cbb = cbw[:, :_D]
    lab = cbw[:, _LLANE:_LLANE + 1].astype(jnp.int32)
    diff = xb - cbb
    intra = jnp.sum(diff * diff, axis=1, keepdims=True)
    x2 = jnp.sum(xb * xb, axis=1, keepdims=True)
    b = _MARGIN + intra - x2
    xaug = _augment(xb, b)
    t = lax.dot_general(xaug, caug, (((1,), (1,)), ((), ())),
                        preferred_element_type=jnp.float32)
    lcls = lab // _NSUB
    out_ref[0] += jnp.sum(intra)
    rpart = jnp.sum(jnp.where(q == lcls, 0.0, jnp.maximum(t, 0.0)),
                    axis=0, keepdims=True)
    @pl.when(g == 0)
    def _acc_init1():
        acc_s[0:1, :] = rpart
    @pl.when(g > 0)
    def _acc_add1():
        acc_s[0:1, :] += rpart

    cr_full = crows_ref[:, :_D]
    corr_sum = jnp.float32(0.0)
    for h in range(_BC // _BD):
        cr = cr_full[h * _BD:(h + 1) * _BD]
        c2col = jnp.sum(cr * cr, axis=1, keepdims=True)
        base = g * _BC + h * _BD
        rowid = lax.broadcasted_iota(jnp.int32, (_BD, 1), 0) + base
        rowcls = rowid // _NSUB
        colid_d = lax.broadcasted_iota(jnp.int32, (1, _BD), 1) + base
        colcls_d = colid_d // _NSUB
        pd = jnp.max(pdiag_ref[:, h * _BD:(h + 1) * _BD], axis=0,
                     keepdims=True)
        crsq = cr * cr
        c2row_d = lax.dot_general(ones_row, crsq, (((1,), (1,)), ((), ())),
                                  preferred_element_type=jnp.float32)
        ccd = lax.dot_general(cr, cr, (((1,), (1,)), ((), ())),
                              preferred_element_type=jnp.float32)
        dd = c2col + c2row_d - 2.0 * ccd

        samecls_d = rowcls == colcls_d
        eye = rowid == colid_d
        pdb = jnp.broadcast_to(pd, (_BD, _BD))
        pcol = jnp.max(jnp.where(eye, pdb, 0.0), axis=1,
                       keepdims=True)
        colm = jnp.max(jnp.where(samecls_d & (pcol > 0.5), dd, _NEG),
                       axis=0, keepdims=True)
        colmb = jnp.broadcast_to(colm, (_BD, _BD))
        dmax = jnp.max(jnp.where(samecls_d & (pdb > 0.5), colmb, _NEG),
                       axis=1, keepdims=True)
        cnt = jnp.sum(jnp.where(samecls_d, pdb, 0.0), axis=1,
                      keepdims=True)
        care = (cnt > 1.5).astype(jnp.float32)
        w = care * pcol

        b2 = jnp.where(w > 0.5, _MARGIN + dmax - c2col, _NEG)
        craug = _augment(cr, b2)
        t2 = lax.dot_general(craug, caug, (((1,), (1,)), ((), ())),
                             preferred_element_type=jnp.float32)
        t2d = 2.0 * ccd + b2 - c2row_d
        qd = jnp.where(pd > 0.5, colcls_d, -1)
        corr = jnp.where(qd == rowcls, jnp.maximum(t2d, 0.0), 0.0)
        corr_sum = corr_sum - jnp.sum(corr)
        r2part = jnp.sum(jnp.maximum(t2, 0.0), axis=0, keepdims=True)
        if h == 0:
            r2acc = r2part
        else:
            r2acc = r2acc + r2part

    out_ref[2] += corr_sum
    @pl.when(g == 0)
    def _acc_init2():
        acc_s[1:2, :] = r2acc
    @pl.when(g > 0)
    def _acc_add2():
        acc_s[1:2, :] += r2acc

    @pl.when(g == _NS1 - 1)
    def _final():
        out_ref[1] += jnp.sum(acc_s[0:1, :])
        out_ref[2] += jnp.sum(acc_s[1:2, :])


def _s1_map(g):
    return (g, 0)


def _s2_map(g):
    return (g, 0)


def _pdiag_map(g):
    return (0, g)


_TC_KW = dict(
    grid=(_NS1,),
    in_specs=[
        pl.BlockSpec((_BX, _D), _s1_map),
        pl.BlockSpec((_NCP, _DW), lambda g: (0, 0)),
        pl.BlockSpec((_BC, _DW), _s2_map),
        pl.BlockSpec((_BX, _DW), _s1_map),
        pl.BlockSpec((32, _NCP), lambda g: (0, 0)),
        pl.BlockSpec((32, _BC), _pdiag_map),
    ],
    out_specs=pl.BlockSpec(memory_space=pltpu.SMEM),
    out_shape=jax.ShapeDtypeStruct((4,), jnp.float32),
    scratch_shapes=[
        pltpu.VMEM((_NCP, _KPAD), jnp.float32),
        pltpu.VMEM((1, _NCP), jnp.int32),
        pltpu.VMEM((2, _NCP), jnp.float32),
    ],
    compiler_params=pltpu.CompilerParams(
        dimension_semantics=("arbitrary",)),
)

_tc_call = pl.pallas_call(_tc_body, **_TC_KW)


_NW = 32
_BPW = _B // _NW


@functools.cache
def _sc_kernels():
    mesh = plsc.VectorSubcoreMesh(core_axis_name="c", subcore_axis_name="s")

    @functools.partial(
        pl.kernel,
        mesh=mesh,
        out_type=[
            jax.ShapeDtypeStruct((_NW, _NCP), jnp.float32),
            jax.ShapeDtypeStruct((_B, _DW), jnp.float32),
        ],
        scratch_types=[
            pltpu.VMEM((_BPW,), jnp.int32),
            pltpu.VMEM((_BPW, _DW), jnp.float32),
            pltpu.VMEM((_NCP,), jnp.float32),
            pltpu.SemaphoreType.DMA,
        ],
        compiler_params=pltpu.CompilerParams(needs_layout_passes=False),
    )
    def _sc_stage(labels_hbm, c_hbm, present_hbm, cb_hbm, idx_v, rows_v,
                  pbuf, sem):
        wid = lax.axis_index("s") * 2 + lax.axis_index("c")
        base = wid * _BPW
        pltpu.sync_copy(labels_hbm.at[pl.ds(base, _BPW)], idx_v)
        copy = pltpu.async_copy(c_hbm.at[idx_v], rows_v, sem)

        zero16 = jnp.zeros((16,), jnp.float32)
        for i in range(_NCP // 16):
            pbuf[pl.ds(i * 16, 16)] = zero16
        ones16 = jnp.ones((16,), jnp.float32)
        for j in range(_BPW // 16):
            plsc.store_scatter(pbuf, [idx_v[pl.ds(j * 16, 16)]], ones16)
        pltpu.sync_copy(pbuf, present_hbm.at[wid])

        copy.wait()
        lane = jnp.full((16,), _LLANE, jnp.int32)
        for j in range(_BPW // 16):
            ridx = lax.broadcasted_iota(jnp.int32, (16,), 0) + j * 16
            vals = idx_v[pl.ds(j * 16, 16)].astype(jnp.float32)
            plsc.store_scatter(rows_v, [ridx, lane], vals)
        pltpu.sync_copy(rows_v, cb_hbm.at[pl.ds(base, _BPW)])

    return _sc_stage


def _sc_part(labels, cwide):
    return _sc_kernels()(labels, cwide)


def kernel(x, labels, centers):
    c = centers.reshape(_NC, _D)
    cwide = jnp.pad(c, ((0, _NCP - _NC), (0, _DW - _D)))
    presentp, cbw = _sc_part(labels, cwide)
    sums = _tc_call(x, cwide, cwide, cbw, presentp, presentp)
    intraclass = sums[0] / (_B * _D * 2.0)
    triplet = sums[1] / (2.0 * _NC * _B)
    interclass = sums[2] / (_NC * _B * 2.0)
    return (intraclass, interclass, triplet)

# --- scband reference (transcript-rebuilt; emitter-appended) ---
"""Pipeline reference for scband-subcluster-ddfm-loss-29652454211787 (READ-ONLY COPY).

The authoritative reference and input builder live on the scoring server;
editing this copy changes nothing except your own understanding.
"""

import jax, jax.numpy as jnp
import numpy as np

NUM_CLASSES = 1000
NUM_SUBSET = 1
NUM_SUBCLUSTER = 3
NUM_SUBCENTERS = NUM_SUBSET * NUM_SUBCLUSTER
NUM_CENTERS = NUM_CLASSES * NUM_SUBCENTERS
FEAT_DIM = 32
MARGIN = 1.0
BATCH = 4096


def setup_inputs(seed: int = 0) -> dict:
    key = jax.random.key(seed)
    k1, k2, k3 = jax.random.split(key, 3)
    x = jax.random.normal(k1, (BATCH, FEAT_DIM), dtype=jnp.float32)
    labels = jax.random.randint(k2, (BATCH,), 0, NUM_CENTERS, dtype=jnp.int32)
    centers = jax.random.normal(k3, (NUM_CLASSES, NUM_SUBCENTERS, FEAT_DIM), dtype=jnp.float32)
    return {"x": x, "labels": labels, "centers": centers}


def reference(x, labels, centers):
    B = x.shape[0]
    C = centers.reshape(-1, FEAT_DIM)  # [num_centers, d]

    # ---- intraclass loss (diagonal of the pairwise x/centers_batch distance matrix) ----
    cb = jnp.take(C, labels, axis=0)  # [B, d]
    intra_d = (x ** 2).sum(axis=1) + (cb ** 2).sum(axis=1) - 2.0 * (x * cb).sum(axis=1)
    intraclass_loss = intra_d.sum() / (B * FEAT_DIM * 2)

    # ---- interclass triplet loss over all centers ----
    cdi = (x ** 2).sum(axis=1, keepdims=True) + (C ** 2).sum(axis=1)[None, :] - 2.0 * (x @ C.T)  # [B, num_centers]
    cdi = intra_d[:, None] - cdi
    present = jnp.zeros((NUM_CENTERS,), dtype=bool).at[labels].set(True)
    class_col = jnp.arange(NUM_CENTERS) // NUM_SUBCENTERS
    class_row = labels // NUM_SUBCENTERS
    # mask[i,k] is False iff center k appears in batch AND class(k) == class(labels[i])
    mask2 = jnp.logical_not(present[None, :] & (class_col[None, :] == class_row[:, None]))
    interclass_loss_triplet = (jnp.maximum(MARGIN + cdi, 0.0) * mask2).sum() / (2.0 * NUM_CENTERS * B)

    # ---- interclass (center-to-center) loss, vectorized over the per-class python loop ----
    counts = jnp.zeros((NUM_CLASSES,), dtype=jnp.int32).at[class_col].add(present.astype(jnp.int32))
    care = counts[class_col] > 1  # centers whose class has >1 distinct subcenter label in batch

    cd = (C ** 2).sum(axis=1, keepdims=True) + (C ** 2).sum(axis=1)[None, :] - 2.0 * (C @ C.T)  # [num_centers, num_centers]
    # M[j,k] True iff center k present in batch and class(k) == class(j)
    M = present[None, :] & (class_col[None, :] == class_col[:, None])
    rowmax = jnp.where(M, cd, -1e30).max(axis=1)  # per-row max over same-class present centers
    dmax_class = jnp.full((NUM_CLASSES,), -1e30, dtype=cd.dtype).at[class_col].max(
        jnp.where(present, rowmax, -1e30)
    )
    dmax_row = dmax_class[class_col]  # per-row: max intra-class center distance of its class
    interclass_loss = (
        jnp.maximum(MARGIN + dmax_row[:, None] - cd, 0.0)
        * jnp.logical_not(M)
        * care[:, None]
        * present[:, None]
    ).sum() / (NUM_CENTERS * B * 2.0)

    return (intraclass_loss, interclass_loss, interclass_loss_triplet)

if __name__ == "__main__":
    import jax
    _d = setup_inputs()
    print(jax.jit(kernel)(*tuple(_d.values())))

</pallas_src>

<mosaic_0001>
#map = affine_map<(d0, d1) -> (0)>
#map1 = affine_map<(d0, d1) -> (0, 0)>
module attributes {stable_mosaic.version = 14 : i64} {
  func.func @_sc_stage(%arg0: i32, %arg1: i32, %arg2: memref<4096xi32, #tpu.memory_space<hbm>>, %arg3: memref<3072x128xf32, #tpu.memory_space<hbm>>, %arg4: memref<32x3072xf32, #tpu.memory_space<hbm>>, %arg5: memref<4096x128xf32, #tpu.memory_space<hbm>>, %arg6: memref<128xi32, #tpu.memory_space<vmem>>, %arg7: memref<128x128xf32, #tpu.memory_space<vmem>>, %arg8: memref<3072xf32, #tpu.memory_space<vmem>>, %arg9: memref<!tpu.dma_semaphore, #tpu.memory_space<semaphore_mem>>) attributes {dimension_semantics = [#tpu.dimension_semantics<core_parallel>, #tpu.dimension_semantics<subcore_parallel>], iteration_bounds = array<i64: 2, 16>, scalar_prefetch = 0 : i64, scratch_operands = 4 : i64, tpu.core_type = #tpu.core_type<sc_vector_subcore>, window_params = [{transform_indices = #map}, {transform_indices = #map1}, {transform_indices = #map1}, {transform_indices = #map1}]} {
    %mul3A = arith.constant 2 : i32
    %mul3A_0 = arith.muli %arg1, %mul3A : i32
    %add3A = arith.addi %mul3A_0, %arg0 : i32
    %mul3A_1 = arith.constant 128 : i32
    %mul3A_2 = arith.muli %add3A, %mul3A_1 : i32
    "tpu.region"() ({
      %run_scoped3A = tpu.sem_alloc : memref<!tpu.dma_semaphore, #tpu.memory_space<semaphore_mem>>
      %dma_start3A_464 = tpu.memref_slice %arg2[%mul3A_2] : memref<4096xi32, #tpu.memory_space<hbm>> -> memref<128xi32, #tpu.memory_space<hbm>>
      %dma_start3A_465 = tpu.memref_slice %arg2[%mul3A_2] : memref<4096xi32, #tpu.memory_space<hbm>> -> memref<128xi32, #tpu.memory_space<hbm>>
      tpu.enqueue_dma source(%dma_start3A_465 : memref<128xi32, #tpu.memory_space<hbm>>) target(%arg6 : memref<128xi32, #tpu.memory_space<vmem>>) target_semaphore(%run_scoped3A : memref<!tpu.dma_semaphore, #tpu.memory_space<semaphore_mem>>)
      %dma_wait3A_466 = tpu.memref_slice %arg2[%mul3A_2] : memref<4096xi32, #tpu.memory_space<hbm>> -> memref<128xi32, #tpu.memory_space<hbm>>
      %dma_wait3A_467 = tpu.memref_slice %arg2[%mul3A_2] : memref<4096xi32, #tpu.memory_space<hbm>> -> memref<128xi32, #tpu.memory_space<hbm>>
      tpu.wait_dma2 semaphore(%run_scoped3A : memref<!tpu.dma_semaphore, #tpu.memory_space<semaphore_mem>>) src(%dma_wait3A_467 : memref<128xi32, #tpu.memory_space<hbm>>) dst(%arg6 : memref<128xi32, #tpu.memory_space<vmem>>)
      tpu.yield
    }) : () -> ()
    %dma_start3A = arith.constant 0 : i32
    %dma_start3A_3 = arith.constant 0 : i32
    %dma_start3A_4 = tpu.memref_slice %arg3[%dma_start3A, %dma_start3A_3] : memref<3072x128xf32, #tpu.memory_space<hbm>> -> memref<3072x128xf32, #tpu.memory_space<hbm>>
    tpu.enqueue_indirect_dma source(%dma_start3A_4 : memref<3072x128xf32, #tpu.memory_space<hbm>>) target(%arg7 : memref<128x128xf32, #tpu.memory_space<vmem>>) offsets(%arg6 : memref<128xi32, #tpu.memory_space<vmem>>) semaphore(%arg9 : memref<!tpu.dma_semaphore, #tpu.memory_space<semaphore_mem>>)
    %broadcast_in_dim3A = arith.constant 0.000000e+00 : f32
    %broadcast_in_dim3A_5 = vector.broadcast %broadcast_in_dim3A : f32 to vector<16xf32>
    %swap3A = arith.constant 0 : index
    %swap3A_6 = tpu.vector_load %arg8[%swap3A] {strides = array<i32>} : memref<3072xf32, #tpu.memory_space<vmem>>, vector<16xf32>,
    tpu.vector_store %arg8[%swap3A], %broadcast_in_dim3A_5 {strides = array<i32>} : memref<3072xf32, #tpu.memory_space<vmem>>, vector<16xf32>,
    %swap3A_7 = arith.constant 16 : index
    %swap3A_8 = tpu.vector_load %arg8[%swap3A_7] {strides = array<i32>} : memref<3072xf32, #tpu.memory_space<vmem>>, vector<16xf32>,
    tpu.vector_store %arg8[%swap3A_7], %broadcast_in_dim3A_5 {strides = array<i32>} : memref<3072xf32, #tpu.memory_space<vmem>>, vector<16xf32>,
    %swap3A_9 = arith.constant 32 : index
    %swap3A_10 = tpu.vector_load %arg8[%swap3A_9] {strides = array<i32>} : memref<3072xf32, #tpu.memory_space<vmem>>, vector<16xf32>,
    tpu.vector_store %arg8[%swap3A_9], %broadcast_in_dim3A_5 {strides = array<i32>} : memref<3072xf32, #tpu.memory_space<vmem>>, vector<16xf32>,
    %swap3A_11 = arith.constant 48 : index
    %swap3A_12 = tpu.vector_load %arg8[%swap3A_11] {strides = array<i32>} : memref<3072xf32, #tpu.memory_space<vmem>>, vector<16xf32>,
    tpu.vector_store %arg8[%swap3A_11], %broadcast_in_dim3A_5 {strides = array<i32>} : memref<3072xf32, #tpu.memory_space<vmem>>, vector<16xf32>,
    %swap3A_13 = arith.constant 64 : index
    %swap3A_14 = tpu.vector_load %arg8[%swap3A_13] {strides = array<i32>} : memref<3072xf32, #tpu.memory_space<vmem>>, vector<16xf32>,
    tpu.vector_store %arg8[%swap3A_13], %broadcast_in_dim3A_5 {strides = array<i32>} : memref<3072xf32, #tpu.memory_space<vmem>>, vector<16xf32>,
    %swap3A_15 = arith.constant 80 : index
    %swap3A_16 = tpu.vector_load %arg8[%swap3A_15] {strides = array<i32>} : memref<3072xf32, #tpu.memory_space<vmem>>, vector<16xf32>,
    tpu.vector_store %arg8[%swap3A_15], %broadcast_in_dim3A_5 {strides = array<i32>} : memref<3072xf32, #tpu.memory_space<vmem>>, vector<16xf32>,
    %swap3A_17 = arith.constant 96 : index
    %swap3A_18 = tpu.vector_load %arg8[%swap3A_17] {strides = array<i32>} : memref<3072xf32, #tpu.memory_space<vmem>>, vector<16xf32>,
    tpu.vector_store %arg8[%swap3A_17], %broadcast_in_dim3A_5 {strides = array<i32>} : memref<3072xf32, #tpu.memory_space<vmem>>, vector<16xf32>,
    %swap3A_19 = arith.constant 112 : index
    %swap3A_20 = tpu.vector_load %arg8[%swap3A_19] {strides = array<i32>} : memref<3072xf32, #tpu.memory_space<vmem>>, vector<16xf32>,
    tpu.vector_store %arg8[%swap3A_19], %broadcast_in_dim3A_5 {strides = array<i32>} : memref<3072xf32, #tpu.memory_space<vmem>>, vector<16xf32>,
    %swap3A_21 = arith.constant 128 : index
    %swap3A_22 = tpu.vector_load %arg8[%swap3A_21] {strides = array<i32>} : memref<3072xf32, #tpu.memory_space<vmem>>, vector<16xf32>,
    tpu.vector_store %arg8[%swap3A_21], %broadcast_in_dim3A_5 {strides = array<i32>} : memref<3072xf32, #tpu.memory_space<vmem>>, vector<16xf32>,
    %swap3A_23 = arith.constant 144 : index
    %swap3A_24 = tpu.vector_load %arg8[%swap3A_23] {strides = array<i32>} : memref<3072xf32, #tpu.memory_space<vmem>>, vector<16xf32>,
    tpu.vector_store %arg8[%swap3A_23], %broadcast_in_dim3A_5 {strides = array<i32>} : memref<3072xf32, #tpu.memory_space<vmem>>, vector<16xf32>,
    %swap3A_25 = arith.constant 160 : index
    %swap3A_26 = tpu.vector_load %arg8[%swap3A_25] {strides = array<i32>} : memref<3072xf32, #tpu.memory_space<vmem>>, vector<16xf32>,
    tpu.vector_store %arg8[%swap3A_25], %broadcast_in_dim3A_5 {strides = array<i32>} : memref<3072xf32, #tpu.memory_space<vmem>>, vector<16xf32>,
    %swap3A_27 = arith.constant 176 : index
    %swap3A_28 = tpu.vector_load %arg8[%swap3A_27] {strides = array<i32>} : memref<3072xf32, #tpu.memory_space<vmem>>, vector<16xf32>,
    tpu.vector_store %arg8[%swap3A_27], %broadcast_in_dim3A_5 {strides = array<i32>} : memref<3072xf32, #tpu.memory_space<vmem>>, vector<16xf32>,
    %swap3A_29 = arith.constant 192 : index
    %swap3A_30 = tpu.vector_load %arg8[%swap3A_29] {strides = array<i32>} : memref<3072xf32, #tpu.memory_space<vmem>>, vector<16xf32>,
    tpu.vector_store %arg8[%swap3A_29], %broadcast_in_dim3A_5 {strides = array<i32>} : memref<3072xf32, #tpu.memory_space<vmem>>, vector<16xf32>,
    %swap3A_31 = arith.constant 208 : index
    %swap3A_32 = tpu.vector_load %arg8[%swap3A_31] {strides = array<i32>} : memref<3072xf32, #tpu.memory_space<vmem>>, vector<16xf32>,
    tpu.vector_store %arg8[%swap3A_31], %broadcast_in_dim3A_5 {strides = array<i32>} : memref<3072xf32, #tpu.memory_space<vmem>>, vector<16xf32>,
    %swap3A_33 = arith.constant 224 : index
    %swap3A_34 = tpu.vector_load %arg8[%swap3A_33] {strides = array<i32>} : memref<3072xf32, #tpu.memory_space<vmem>>, vector<16xf32>,
    tpu.vector_store %arg8[%swap3A_33], %broadcast_in_dim3A_5 {strides = array<i32>} : memref<3072xf32, #tpu.memory_space<vmem>>, vector<16xf32>,
    %swap3A_35 = arith.constant 240 : index
    %swap3A_36 = tpu.vector_load %arg8[%swap3A_35] {strides = array<i32>} : memref<3072xf32, #tpu.memory_space<vmem>>, vector<16xf32>,
    tpu.vector_store %arg8[%swap3A_35], %broadcast_in_dim3A_5 {strides = array<i32>} : memref<3072xf32, #tpu.memory_space<vmem>>, vector<16xf32>,
    %swap3A_37 = arith.constant 256 : index
    %swap3A_38 = tpu.vector_load %arg8[%swap3A_37] {strides = array<i32>} : memref<3072xf32, #tpu.memory_space<vmem>>, vector<16xf32>,
    tpu.vector_store %arg8[%swap3A_37], %broadcast_in_dim3A_5 {strides = array<i32>} : memref<3072xf32, #tpu.memory_space<vmem>>, vector<16xf32>,
    %swap3A_39 = arith.constant 272 : index
    %swap3A_40 = tpu.vector_load %arg8[%swap3A_39] {strides = array<i32>} : memref<3072xf32, #tpu.memory_space<vmem>>, vector<16xf32>,
    tpu.vector_store %arg8[%swap3A_39], %broadcast_in_dim3A_5 {strides = array<i32>} : memref<3072xf32, #tpu.memory_space<vmem>>, vector<16xf32>,
    %swap3A_41 = arith.constant 288 : index
    %swap3A_42 = tpu.vector_load %arg8[%swap3A_41] {strides = array<i32>} : memref<3072xf32, #tpu.memory_space<vmem>>, vector<16xf32>,
    tpu.vector_store %arg8[%swap3A_41], %broadcast_in_dim3A_5 {strides = array<i32>} : memref<3072xf32, #tpu.memory_space<vmem>>, vector<16xf32>,
    %swap3A_43 = arith.constant 304 : index
    %swap3A_44 = tpu.vector_load %arg8[%swap3A_43] {strides = array<i32>} : memref<3072xf32, #tpu.memory_space<vmem>>, vector<16xf32>,
    tpu.vector_store %arg8[%swap3A_43], %broadcast_in_dim3A_5 {strides = array<i32>} : memref<3072xf32, #tpu.memory_space<vmem>>, vector<16xf32>,
    %swap3A_45 = arith.constant 320 : index
    %swap3A_46 = tpu.vector_load %arg8[%swap3A_45] {strides = array<i32>} : memref<3072xf32, #tpu.memory_space<vmem>>, vector<16xf32>,
    tpu.vector_store %arg8[%swap3A_45], %broadcast_in_dim3A_5 {strides = array<i32>} : memref<3072xf32, #tpu.memory_space<vmem>>, vector<16xf32>,
    %swap3A_47 = arith.constant 336 : index
    %swap3A_48 = tpu.vector_load %arg8[%swap3A_47] {strides = array<i32>} : memref<3072xf32, #tpu.memory_space<vmem>>, vector<16xf32>,
    tpu.vector_store %arg8[%swap3A_47], %broadcast_in_dim3A_5 {strides = array<i32>} : memref<3072xf32, #tpu.memory_space<vmem>>, vector<16xf32>,
    %swap3A_49 = arith.constant 352 : index
    %swap3A_50 = tpu.vector_load %arg8[%swap3A_49] {strides = array<i32>} : memref<3072xf32, #tpu.memory_space<vmem>>, vector<16xf32>,
    tpu.vector_store %arg8[%swap3A_49], %broadcast_in_dim3A_5 {strides = array<i32>} : memref<3072xf32, #tpu.memory_space<vmem>>, vector<16xf32>,
    %swap3A_51 = arith.constant 368 : index
    %swap3A_52 = tpu.vector_load %arg8[%swap3A_51] {strides = array<i32>} : memref<3072xf32, #tpu.memory_space<vmem>>, vector<16xf32>,
    tpu.vector_store %arg8[%swap3A_51], %broadcast_in_dim3A_5 {strides = array<i32>} : memref<3072xf32, #tpu.memory_space<vmem>>, vector<16xf32>,
    %swap3A_53 = arith.constant 384 : index
    %swap3A_54 = tpu.vector_load %arg8[%swap3A_53] {strides = array<i32>} : memref<3072xf32, #tpu.memory_space<vmem>>, vector<16xf32>,
    tpu.vector_store %arg8[%swap3A_53], %broadcast_in_dim3A_5 {strides = array<i32>} : memref<3072xf32, #tpu.memory_space<vmem>>, vector<16xf32>,
    %swap3A_55 = arith.constant 400 : index
    %swap3A_56 = tpu.vector_load %arg8[%swap3A_55] {strides = array<i32>} : memref<3072xf32, #tpu.memory_space<vmem>>, vector<16xf32>,
    tpu.vector_store %arg8[%swap3A_55], %broadcast_in_dim3A_5 {strides = array<i32>} : memref<3072xf32, #tpu.memory_space<vmem>>, vector<16xf32>,
    %swap3A_57 = arith.constant 416 : index
    %swap3A_58 = tpu.vector_load %arg8[%swap3A_57] {strides = array<i32>} : memref<3072xf32, #tpu.memory_space<vmem>>, vector<16xf32>,
    tpu.vector_store %arg8[%swap3A_57], %broadcast_in_dim3A_5 {strides = array<i32>} : memref<3072xf32, #tpu.memory_space<vmem>>, vector<16xf32>,
    %swap3A_59 = arith.constant 432 : index
    %swap3A_60 = tpu.vector_load %arg8[%swap3A_59] {strides = array<i32>} : memref<3072xf32, #tpu.memory_space<vmem>>, vector<16xf32>,
    tpu.vector_store %arg8[%swap3A_59], %broadcast_in_dim3A_5 {strides = array<i32>} : memref<3072xf32, #tpu.memory_space<vmem>>, vector<16xf32>,
    %swap3A_61 = arith.constant 448 : index
    %swap3A_62 = tpu.vector_load %arg8[%swap3A_61] {strides = array<i32>} : memref<3072xf32, #tpu.memory_space<vmem>>, vector<16xf32>,
    tpu.vector_store %arg8[%swap3A_61], %broadcast_in_dim3A_5 {strides = array<i32>} : memref<3072xf32, #tpu.memory_space<vmem>>, vector<16xf32>,
    %swap3A_63 = arith.constant 464 : index
    %swap3A_64 = tpu.vector_load %arg8[%swap3A_63] {strides = array<i32>} : memref<3072xf32, #tpu.memory_space<vmem>>, vector<16xf32>,
    tpu.vector_store %arg8[%swap3A_63], %broadcast_in_dim3A_5 {strides = array<i32>} : memref<3072xf32, #tpu.memory_space<vmem>>, vector<16xf32>,
    %swap3A_65 = arith.constant 480 : index
    %swap3A_66 = tpu.vector_load %arg8[%swap3A_65] {strides = array<i32>} : memref<3072xf32, #tpu.memory_space<vmem>>, vector<16xf32>,
    tpu.vector_store %arg8[%swap3A_65], %broadcast_in_dim3A_5 {strides = array<i32>} : memref<3072xf32, #tpu.memory_space<vmem>>, vector<16xf32>,
    %swap3A_67 = arith.constant 496 : index
    %swap3A_68 = tpu.vector_load %arg8[%swap3A_67] {strides = array<i32>} : memref<3072xf32, #tpu.memory_space<vmem>>, vector<16xf32>,
    tpu.vector_store %arg8[%swap3A_67], %broadcast_in_dim3A_5 {strides = array<i32>} : memref<3072xf32, #tpu.memory_space<vmem>>, vector<16xf32>,
    %swap3A_69 = arith.constant 512 : index
    %swap3A_70 = tpu.vector_load %arg8[%swap3A_69] {strides = array<i32>} : memref<3072xf32, #tpu.memory_space<vmem>>, vector<16xf32>,
    tpu.vector_store %arg8[%swap3A_69], %broadcast_in_dim3A_5 {strides = array<i32>} : memref<3072xf32, #tpu.memory_space<vmem>>, vector<16xf32>,
    %swap3A_71 = arith.constant 528 : index
    %swap3A_72 = tpu.vector_load %arg8[%swap3A_71] {strides = array<i32>} : memref<3072xf32, #tpu.memory_space<vmem>>, vector<16xf32>,
    tpu.vector_store %arg8[%swap3A_71], %broadcast_in_dim3A_5 {strides = array<i32>} : memref<3072xf32, #tpu.memory_space<vmem>>, vector<16xf32>,
    %swap3A_73 = arith.constant 544 : index
    %swap3A_74 = tpu.vector_load %arg8[%swap3A_73] {strides = array<i32>} : memref<3072xf32, #tpu.memory_space<vmem>>, vector<16xf32>,
    tpu.vector_store %arg8[%swap3A_73], %broadcast_in_dim3A_5 {strides = array<i32>} : memref<3072xf32, #tpu.memory_space<vmem>>, vector<16xf32>,
    %swap3A_75 = arith.constant 560 : index
    %swap3A_76 = tpu.vector_load %arg8[%swap3A_75] {strides = array<i32>} : memref<3072xf32, #tpu.memory_space<vmem>>, vector<16xf32>,
    tpu.vector_store %arg8[%swap3A_75], %broadcast_in_dim3A_5 {strides = array<i32>} : memref<3072xf32, #tpu.memory_space<vmem>>, vector<16xf32>,
    %swap3A_77 = arith.constant 576 : index
    %swap3A_78 = tpu.vector_load %arg8[%swap3A_77] {strides = array<i32>} : memref<3072xf32, #tpu.memory_space<vmem>>, vector<16xf32>,
    tpu.vector_store %arg8[%swap3A_77], %broadcast_in_dim3A_5 {strides = array<i32>} : memref<3072xf32, #tpu.memory_space<vmem>>, vector<16xf32>,
    %swap3A_79 = arith.constant 592 : index
    %swap3A_80 = tpu.vector_load %arg8[%swap3A_79] {strides = array<i32>} : memref<3072xf32, #tpu.memory_space<vmem>>, vector<16xf32>,
    tpu.vector_store %arg8[%swap3A_79], %broadcast_in_dim3A_5 {strides = array<i32>} : memref<3072xf32, #tpu.memory_space<vmem>>, vector<16xf32>,
    %swap3A_81 = arith.constant 608 : index
    %swap3A_82 = tpu.vector_load %arg8[%swap3A_81] {strides = array<i32>} : memref<3072xf32, #tpu.memory_space<vmem>>, vector<16xf32>,
    tpu.vector_store %arg8[%swap3A_81], %broadcast_in_dim3A_5 {strides = array<i32>} : memref<3072xf32, #tpu.memory_space<vmem>>, vector<16xf32>,
    %swap3A_83 = arith.constant 624 : index
    %swap3A_84 = tpu.vector_load %arg8[%swap3A_83] {strides = array<i32>} : memref<3072xf32, #tpu.memory_space<vmem>>, vector<16xf32>,
    tpu.vector_store %arg8[%swap3A_83], %broadcast_in_dim3A_5 {strides = array<i32>} : memref<3072xf32, #tpu.memory_space<vmem>>, vector<16xf32>,
    %swap3A_85 = arith.constant 640 : index
    %swap3A_86 = tpu.vector_load %arg8[%swap3A_85] {strides = array<i32>} : memref<3072xf32, #tpu.memory_space<vmem>>, vector<16xf32>,
    tpu.vector_store %arg8[%swap3A_85], %broadcast_in_dim3A_5 {strides = array<i32>} : memref<3072xf32, #tpu.memory_space<vmem>>, vector<16xf32>,
    %swap3A_87 = arith.constant 656 : index
    %swap3A_88 = tpu.vector_load %arg8[%swap3A_87] {strides = array<i32>} : memref<3072xf32, #tpu.memory_space<vmem>>, vector<16xf32>,
    tpu.vector_store %arg8[%swap3A_87], %broadcast_in_dim3A_5 {strides = array<i32>} : memref<3072xf32, #tpu.memory_space<vmem>>, vector<16xf32>,
    %swap3A_89 = arith.constant 672 : index
    %swap3A_90 = tpu.vector_load %arg8[%swap3A_89] {strides = array<i32>} : memref<3072xf32, #tpu.memory_space<vmem>>, vector<16xf32>,
    tpu.vector_store %arg8[%swap3A_89], %broadcast_in_dim3A_5 {strides = array<i32>} : memref<3072xf32, #tpu.memory_space<vmem>>, vector<16xf32>,
    %swap3A_91 = arith.constant 688 : index
    %swap3A_92 = tpu.vector_load %arg8[%swap3A_91] {strides = array<i32>} : memref<3072xf32, #tpu.memory_space<vmem>>, vector<16xf32>,
    tpu.vector_store %arg8[%swap3A_91], %broadcast_in_dim3A_5 {strides = array<i32>} : memref<3072xf32, #tpu.memory_space<vmem>>, vector<16xf32>,
    %swap3A_93 = arith.constant 704 : index
    %swap3A_94 = tpu.vector_load %arg8[%swap3A_93] {strides = array<i32>} : memref<3072xf32, #tpu.memory_space<vmem>>, vector<16xf32>,
    tpu.vector_store %arg8[%swap3A_93], %broadcast_in_dim3A_5 {strides = array<i32>} : memref<3072xf32, #tpu.memory_space<vmem>>, vector<16xf32>,
    %swap3A_95 = arith.constant 720 : index
    %swap3A_96 = tpu.vector_load %arg8[%swap3A_95] {strides = array<i32>} : memref<3072xf32, #tpu.memory_space<vmem>>, vector<16xf32>,
    tpu.vector_store %arg8[%swap3A_95], %broadcast_in_dim3A_5 {strides = array<i32>} : memref<3072xf32, #tpu.memory_space<vmem>>, vector<16xf32>,
    %swap3A_97 = arith.constant 736 : index
    %swap3A_98 = tpu.vector_load %arg8[%swap3A_97] {strides = array<i32>} : memref<3072xf32, #tpu.memory_space<vmem>>, vector<16xf32>,
    tpu.vector_store %arg8[%swap3A_97], %broadcast_in_dim3A_5 {strides = array<i32>} : memref<3072xf32, #tpu.memory_space<vmem>>, vector<16xf32>,
    %swap3A_99 = arith.constant 752 : index
    %swap3A_100 = tpu.vector_load %arg8[%swap3A_99] {strides = array<i32>} : memref<3072xf32, #tpu.memory_space<vmem>>, vector<16xf32>,
    tpu.vector_store %arg8[%swap3A_99], %broadcast_in_dim3A_5 {strides = array<i32>} : memref<3072xf32, #tpu.memory_space<vmem>>, vector<16xf32>,
    %swap3A_101 = arith.constant 768 : index
    %swap3A_102 = tpu.vector_load %arg8[%swap3A_101] {strides = array<i32>} : memref<3072xf32, #tpu.memory_space<vmem>>, vector<16xf32>,
    tpu.vector_store %arg8[%swap3A_101], %broadcast_in_dim3A_5 {strides = array<i32>} : memref<3072xf32, #tpu.memory_space<vmem>>, vector<16xf32>,
    %swap3A_103 = arith.constant 784 : index
    %swap3A_104 = tpu.vector_load %arg8[%swap3A_103] {strides = array<i32>} : memref<3072xf32, #tpu.memory_space<vmem>>, vector<16xf32>,
    tpu.vector_store %arg8[%swap3A_103], %broadcast_in_dim3A_5 {strides = array<i32>} : memref<3072xf32, #tpu.memory_space<vmem>>, vector<16xf32>,
    %swap3A_105 = arith.constant 800 : index
    %swap3A_106 = tpu.vector_load %arg8[%swap3A_105] {strides = array<i32>} : memref<3072xf32, #tpu.memory_space<vmem>>, vector<16xf32>,
    tpu.vector_store %arg8[%swap3A_105], %broadcast_in_dim3A_5 {strides = array<i32>} : memref<3072xf32, #tpu.memory_space<vmem>>, vector<16xf32>,
    %swap3A_107 = arith.constant 816 : index
    %swap3A_108 = tpu.vector_load %arg8[%swap3A_107] {strides = array<i32>} : memref<3072xf32, #tpu.memory_space<vmem>>, vector<16xf32>,
    tpu.vector_store %arg8[%swap3A_107], %broadcast_in_dim3A_5 {strides = array<i32>} : memref<3072xf32, #tpu.memory_space<vmem>>, vector<16xf32>,
    %swap3A_109 = arith.constant 832 : index
    %swap3A_110 = tpu.vector_load %arg8[%swap3A_109] {strides = array<i32>} : memref<3072xf32, #tpu.memory_space<vmem>>, vector<16xf32>,
    tpu.vector_store %arg8[%swap3A_109], %broadcast_in_dim3A_5 {strides = array<i32>} : memref<3072xf32, #tpu.memory_space<vmem>>, vector<16xf32>,
    %swap3A_111 = arith.constant 848 : index
    %swap3A_112 = tpu.vector_load %arg8[%swap3A_111] {strides = array<i32>} : memref<3072xf32, #tpu.memory_space<vmem>>, vector<16xf32>,
    tpu.vector_store %arg8[%swap3A_111], %broadcast_in_dim3A_5 {strides = array<i32>} : memref<3072xf32, #tpu.memory_space<vmem>>, vector<16xf32>,
    %swap3A_113 = arith.constant 864 : index
    %swap3A_114 = tpu.vector_load %arg8[%swap3A_113] {strides = array<i32>} : memref<3072xf32, #tpu.memory_space<vmem>>, vector<16xf32>,
    tpu.vector_store %arg8[%swap3A_113], %broadcast_in_dim3A_5 {strides = array<i32>} : memref<3072xf32, #tpu.memory_space<vmem>>, vector<16xf32>,
    %swap3A_115 = arith.constant 880 : index
    %swap3A_116 = tpu.vector_load %arg8[%swap3A_115] {strides = array<i32>} : memref<3072xf32, #tpu.memory_space<vmem>>, vector<16xf32>,
    tpu.vector_store %arg8[%swap3A_115], %broadcast_in_dim3A_5 {strides = array<i32>} : memref<3072xf32, #tpu.memory_space<vmem>>, vector<16xf32>,
    %swap3A_117 = arith.constant 896 : index
    %swap3A_118 = tpu.vector_load %arg8[%swap3A_117] {strides = array<i32>} : memref<3072xf32, #tpu.memory_space<vmem>>, vector<16xf32>,
    tpu.vector_store %arg8[%swap3A_117], %broadcast_in_dim3A_5 {strides = array<i32>} : memref<3072xf32, #tpu.memory_space<vmem>>, vector<16xf32>,
    %swap3A_119 = arith.constant 912 : index
    %swap3A_120 = tpu.vector_load %arg8[%swap3A_119] {strides = array<i32>} : memref<3072xf32, #tpu.memory_space<vmem>>, vector<16xf32>,
    tpu.vector_store %arg8[%swap3A_119], %broadcast_in_dim3A_5 {strides = array<i32>} : memref<3072xf32, #tpu.memory_space<vmem>>, vector<16xf32>,
    %swap3A_121 = arith.constant 928 : index
    %swap3A_122 = tpu.vector_load %arg8[%swap3A_121] {strides = array<i32>} : memref<3072xf32, #tpu.memory_space<vmem>>, vector<16xf32>,
    tpu.vector_store %arg8[%swap3A_121], %broadcast_in_dim3A_5 {strides = array<i32>} : memref<3072xf32, #tpu.memory_space<vmem>>, vector<16xf32>,
    %swap3A_123 = arith.constant 944 : index
    %swap3A_124 = tpu.vector_load %arg8[%swap3A_123] {strides = array<i32>} : memref<3072xf32, #tpu.memory_space<vmem>>, vector<16xf32>,
    tpu.vector_store %arg8[%swap3A_123], %broadcast_in_dim3A_5 {strides = array<i32>} : memref<3072xf32, #tpu.memory_space<vmem>>, vector<16xf32>,
    %swap3A_125 = arith.constant 960 : index
    %swap3A_126 = tpu.vector_load %arg8[%swap3A_125] {strides = array<i32>} : memref<3072xf32, #tpu.memory_space<vmem>>, vector<16xf32>,
    tpu.vector_store %arg8[%swap3A_125], %broadcast_in_dim3A_5 {strides = array<i32>} : memref<3072xf32, #tpu.memory_space<vmem>>, vector<16xf32>,
    %swap3A_127 = arith.constant 976 : index
    %swap3A_128 = tpu.vector_load %arg8[%swap3A_127] {strides = array<i32>} : memref<3072xf32, #tpu.memory_space<vmem>>, vector<16xf32>,
    tpu.vector_store %arg8[%swap3A_127], %broadcast_in_dim3A_5 {strides = array<i32>} : memref<3072xf32, #tpu.memory_space<vmem>>, vector<16xf32>,
    %swap3A_129 = arith.constant 992 : index
    %swap3A_130 = tpu.vector_load %arg8[%swap3A_129] {strides = array<i32>} : memref<3072xf32, #tpu.memory_space<vmem>>, vector<16xf32>,
    tpu.vector_store %arg8[%swap3A_129], %broadcast_in_dim3A_5 {strides = array<i32>} : memref<3072xf32, #tpu.memory_space<vmem>>, vector<16xf32>,
    %swap3A_131 = arith.constant 1008 : index
    %swap3A_132 = tpu.vector_load %arg8[%swap3A_131] {strides = array<i32>} : memref<3072xf32, #tpu.memory_space<vmem>>, vector<16xf32>,
    tpu.vector_store %arg8[%swap3A_131], %broadcast_in_dim3A_5 {strides = array<i32>} : memref<3072xf32, #tpu.memory_space<vmem>>, vector<16xf32>,
    %swap3A_133 = arith.constant 1024 : index
    %swap3A_134 = tpu.vector_load %arg8[%swap3A_133] {strides = array<i32>} : memref<3072xf32, #tpu.memory_space<vmem>>, vector<16xf32>,
    tpu.vector_store %arg8[%swap3A_133], %broadcast_in_dim3A_5 {strides = array<i32>} : memref<3072xf32, #tpu.memory_space<vmem>>, vector<16xf32>,
    %swap3A_135 = arith.constant 1040 : index
    %swap3A_136 = tpu.vector_load %arg8[%swap3A_135] {strides = array<i32>} : memref<3072xf32, #tpu.memory_space<vmem>>, vector<16xf32>,
    tpu.vector_store %arg8[%swap3A_135], %broadcast_in_dim3A_5 {strides = array<i32>} : memref<3072xf32, #tpu.memory_space<vmem>>, vector<16xf32>,
    %swap3A_137 = arith.constant 1056 : index
    %swap3A_138 = tpu.vector_load %arg8[%swap3A_137] {strides = array<i32>} : memref<3072xf32, #tpu.memory_space<vmem>>, vector<16xf32>,
    tpu.vector_store %arg8[%swap3A_137], %broadcast_in_dim3A_5 {strides = array<i32>} : memref<3072xf32, #tpu.memory_space<vmem>>, vector<16xf32>,
    %swap3A_139 = arith.constant 1072 : index
    %swap3A_140 = tpu.vector_load %arg8[%swap3A_139] {strides = array<i32>} : memref<3072xf32, #tpu.memory_space<vmem>>, vector<16xf32>,
    tpu.vector_store %arg8[%swap3A_139], %broadcast_in_dim3A_5 {strides = array<i32>} : memref<3072xf32, #tpu.memory_space<vmem>>, vector<16xf32>,
    %swap3A_141 = arith.constant 1088 : index
    %swap3A_142 = tpu.vector_load %arg8[%swap3A_141] {strides = array<i32>} : memref<3072xf32, #tpu.memory_space<vmem>>, vector<16xf32>,
    tpu.vector_store %arg8[%swap3A_141], %broadcast_in_dim3A_5 {strides = array<i32>} : memref<3072xf32, #tpu.memory_space<vmem>>, vector<16xf32>,
    %swap3A_143 = arith.constant 1104 : index
    %swap3A_144 = tpu.vector_load %arg8[%swap3A_143] {strides = array<i32>} : memref<3072xf32, #tpu.memory_space<vmem>>, vector<16xf32>,
    tpu.vector_store %arg8[%swap3A_143], %broadcast_in_dim3A_5 {strides = array<i32>} : memref<3072xf32, #tpu.memory_space<vmem>>, vector<16xf32>,
    %swap3A_145 = arith.constant 1120 : index
    %swap3A_146 = tpu.vector_load %arg8[%swap3A_145] {strides = array<i32>} : memref<3072xf32, #tpu.memory_space<vmem>>, vector<16xf32>,
    tpu.vector_store %arg8[%swap3A_145], %broadcast_in_dim3A_5 {strides = array<i32>} : memref<3072xf32, #tpu.memory_space<vmem>>, vector<16xf32>,
    %swap3A_147 = arith.constant 1136 : index
    %swap3A_148 = tpu.vector_load %arg8[%swap3A_147] {strides = array<i32>} : memref<3072xf32, #tpu.memory_space<vmem>>, vector<16xf32>,
    tpu.vector_store %arg8[%swap3A_147], %broadcast_in_dim3A_5 {strides = array<i32>} : memref<3072xf32, #tpu.memory_space<vmem>>, vector<16xf32>,
    %swap3A_149 = arith.constant 1152 : index
    %swap3A_150 = tpu.vector_load %arg8[%swap3A_149] {strides = array<i32>} : memref<3072xf32, #tpu.memory_space<vmem>>, vector<16xf32>,
    tpu.vector_store %arg8[%swap3A_149], %broadcast_in_dim3A_5 {strides = array<i32>} : memref<3072xf32, #tpu.memory_space<vmem>>, vector<16xf32>,
    %swap3A_151 = arith.constant 1168 : index
    %swap3A_152 = tpu.vector_load %arg8[%swap3A_151] {strides = array<i32>} : memref<3072xf32, #tpu.memory_space<vmem>>, vector<16xf32>,
    tpu.vector_store %arg8[%swap3A_151], %broadcast_in_dim3A_5 {strides = array<i32>} : memref<3072xf32, #tpu.memory_space<vmem>>, vector<16xf32>,
    %swap3A_153 = arith.constant 1184 : index
    %swap3A_154 = tpu.vector_load %arg8[%swap3A_153] {strides = array<i32>} : memref<3072xf32, #tpu.memory_space<vmem>>, vector<16xf32>,
    tpu.vector_store %arg8[%swap3A_153], %broadcast_in_dim3A_5 {strides = array<i32>} : memref<3072xf32, #tpu.memory_space<vmem>>, vector<16xf32>,
    %swap3A_155 = arith.constant 1200 : index
    %swap3A_156 = tpu.vector_load %arg8[%swap3A_155] {strides = array<i32>} : memref<3072xf32, #tpu.memory_space<vmem>>, vector<16xf32>,
    tpu.vector_store %arg8[%swap3A_155], %broadcast_in_dim3A_5 {strides = array<i32>} : memref<3072xf32, #tpu.memory_space<vmem>>, vector<16xf32>,
    %swap3A_157 = arith.constant 1216 : index
    %swap3A_158 = tpu.vector_load %arg8[%swap3A_157] {strides = array<i32>} : memref<3072xf32, #tpu.memory_space<vmem>>, vector<16xf32>,
    tpu.vector_store %arg8[%swap3A_157], %broadcast_in_dim3A_5 {strides = array<i32>} : memref<3072xf32, #tpu.memory_space<vmem>>, vector<16xf32>,
    %swap3A_159 = arith.constant 1232 : index
    %swap3A_160 = tpu.vector_load %arg8[%swap3A_159] {strides = array<i32>} : memref<3072xf32, #tpu.memory_space<vmem>>, vector<16xf32>,
    tpu.vector_store %arg8[%swap3A_159], %broadcast_in_dim3A_5 {strides = array<i32>} : memref<3072xf32, #tpu.memory_space<vmem>>, vector<16xf32>,
    %swap3A_161 = arith.constant 1248 : index
    %swap3A_162 = tpu.vector_load %arg8[%swap3A_161] {strides = array<i32>} : memref<3072xf32, #tpu.memory_space<vmem>>, vector<16xf32>,
    tpu.vector_store %arg8[%swap3A_161], %broadcast_in_dim3A_5 {strides = array<i32>} : memref<3072xf32, #tpu.memory_space<vmem>>, vector<16xf32>,
    %swap3A_163 = arith.constant 1264 : index
    %swap3A_164 = tpu.vector_load %arg8[%swap3A_163] {strides = array<i32>} : memref<3072xf32, #tpu.memory_space<vmem>>, vector<16xf32>,
    tpu.vector_store %arg8[%swap3A_163], %broadcast_in_dim3A_5 {strides = array<i32>} : memref<3072xf32, #tpu.memory_space<vmem>>, vector<16xf32>,
    %swap3A_165 = arith.constant 1280 : index
    %swap3A_166 = tpu.vector_load %arg8[%swap3A_165] {strides = array<i32>} : memref<3072xf32, #tpu.memory_space<vmem>>, vector<16xf32>,
    tpu.vector_store %arg8[%swap3A_165], %broadcast_in_dim3A_5 {strides = array<i32>} : memref<3072xf32, #tpu.memory_space<vmem>>, vector<16xf32>,
    %swap3A_167 = arith.constant 1296 : index
    %swap3A_168 = tpu.vector_load %arg8[%swap3A_167] {strides = array<i32>} : memref<3072xf32, #tpu.memory_space<vmem>>, vector<16xf32>,
    tpu.vector_store %arg8[%swap3A_167], %broadcast_in_dim3A_5 {strides = array<i32>} : memref<3072xf32, #tpu.memory_space<vmem>>, vector<16xf32>,
    %swap3A_169 = arith.constant 1312 : index
    %swap3A_170 = tpu.vector_load %arg8[%swap3A_169] {strides = array<i32>} : memref<3072xf32, #tpu.memory_space<vmem>>, vector<16xf32>,
    tpu.vector_store %arg8[%swap3A_169], %broadcast_in_dim3A_5 {strides = array<i32>} : memref<3072xf32, #tpu.memory_space<vmem>>, vector<16xf32>,
    %swap3A_171 = arith.constant 1328 : index
    %swap3A_172 = tpu.vector_load %arg8[%swap3A_171] {strides = array<i32>} : memref<3072xf32, #tpu.memory_space<vmem>>, vector<16xf32>,
    tpu.vector_store %arg8[%swap3A_171], %broadcast_in_dim3A_5 {strides = array<i32>} : memref<3072xf32, #tpu.memory_space<vmem>>, vector<16xf32>,
    %swap3A_173 = arith.constant 1344 : index
    %swap3A_174 = tpu.vector_load %arg8[%swap3A_173] {strides = array<i32>} : memref<3072xf32, #tpu.memory_space<vmem>>, vector<16xf32>,
    tpu.vector_store %arg8[%swap3A_173], %broadcast_in_dim3A_5 {strides = array<i32>} : memref<3072xf32, #tpu.memory_space<vmem>>, vector<16xf32>,
    %swap3A_175 = arith.constant 1360 : index
    %swap3A_176 = tpu.vector_load %arg8[%swap3A_175] {strides = array<i32>} : memref<3072xf32, #tpu.memory_space<vmem>>, vector<16xf32>,
    tpu.vector_store %arg8[%swap3A_175], %broadcast_in_dim3A_5 {strides = array<i32>} : memref<3072xf32, #tpu.memory_space<vmem>>, vector<16xf32>,
    %swap3A_177 = arith.constant 1376 : index
    %swap3A_178 = tpu.vector_load %arg8[%swap3A_177] {strides = array<i32>} : memref<3072xf32, #tpu.memory_space<vmem>>, vector<16xf32>,
    tpu.vector_store %arg8[%swap3A_177], %broadcast_in_dim3A_5 {strides = array<i32>} : memref<3072xf32, #tpu.memory_space<vmem>>, vector<16xf32>,
    %swap3A_179 = arith.constant 1392 : index
    %swap3A_180 = tpu.vector_load %arg8[%swap3A_179] {strides = array<i32>} : memref<3072xf32, #tpu.memory_space<vmem>>, vector<16xf32>,
    tpu.vector_store %arg8[%swap3A_179], %broadcast_in_dim3A_5 {strides = array<i32>} : memref<3072xf32, #tpu.memory_space<vmem>>, vector<16xf32>,
    %swap3A_181 = arith.constant 1408 : index
    %swap3A_182 = tpu.vector_load %arg8[%swap3A_181] {strides = array<i32>} : memref<3072xf32, #tpu.memory_space<vmem>>, vector<16xf32>,
    tpu.vector_store %arg8[%swap3A_181], %broadcast_in_dim3A_5 {strides = array<i32>} : memref<3072xf32, #tpu.memory_space<vmem>>, vector<16xf32>,
    %swap3A_183 = arith.constant 1424 : index
    %swap3A_184 = tpu.vector_load %arg8[%swap3A_183] {strides = array<i32>} : memref<3072xf32, #tpu.memory_space<vmem>>, vector<16xf32>,
    tpu.vector_store %arg8[%swap3A_183], %broadcast_in_dim3A_5 {strides = array<i32>} : memref<3072xf32, #tpu.memory_space<vmem>>, vector<16xf32>,
    %swap3A_185 = arith.constant 1440 : index
    %swap3A_186 = tpu.vector_load %arg8[%swap3A_185] {strides = array<i32>} : memref<3072xf32, #tpu.memory_space<vmem>>, vector<16xf32>,
    tpu.vector_store %arg8[%swap3A_185], %broadcast_in_dim3A_5 {strides = array<i32>} : memref<3072xf32, #tpu.memory_space<vmem>>, vector<16xf32>,
    %swap3A_187 = arith.constant 1456 : index
    %swap3A_188 = tpu.vector_load %arg8[%swap3A_187] {strides = array<i32>} : memref<3072xf32, #tpu.memory_space<vmem>>, vector<16xf32>,
    tpu.vector_store %arg8[%swap3A_187], %broadcast_in_dim3A_5 {strides = array<i32>} : memref<3072xf32, #tpu.memory_space<vmem>>, vector<16xf32>,
    %swap3A_189 = arith.constant 1472 : index
    %swap3A_190 = tpu.vector_load %arg8[%swap3A_189] {strides = array<i32>} : memref<3072xf32, #tpu.memory_space<vmem>>, vector<16xf32>,
    tpu.vector_store %arg8[%swap3A_189], %broadcast_in_dim3A_5 {strides = array<i32>} : memref<3072xf32, #tpu.memory_space<vmem>>, vector<16xf32>,
    %swap3A_191 = arith.constant 1488 : index
    %swap3A_192 = tpu.vector_load %arg8[%swap3A_191] {strides = array<i32>} : memref<3072xf32, #tpu.memory_space<vmem>>, vector<16xf32>,
    tpu.vector_store %arg8[%swap3A_191], %broadcast_in_dim3A_5 {strides = array<i32>} : memref<3072xf32, #tpu.memory_space<vmem>>, vector<16xf32>,
    %swap3A_193 = arith.constant 1504 : index
    %swap3A_194 = tpu.vector_load %arg8[%swap3A_193] {strides = array<i32>} : memref<3072xf32, #tpu.memory_space<vmem>>, vector<16xf32>,
    tpu.vector_store %arg8[%swap3A_193], %broadcast_in_dim3A_5 {strides = array<i32>} : memref<3072xf32, #tpu.memory_space<vmem>>, vector<16xf32>,
    %swap3A_195 = arith.constant 1520 : index
    %swap3A_196 = tpu.vector_load %arg8[%swap3A_195] {strides = array<i32>} : memref<3072xf32, #tpu.memory_space<vmem>>, vector<16xf32>,
    tpu.vector_store %arg8[%swap3A_195], %broadcast_in_dim3A_5 {strides = array<i32>} : memref<3072xf32, #tpu.memory_space<vmem>>, vector<16xf32>,
    %swap3A_197 = arith.constant 1536 : index
    %swap3A_198 = tpu.vector_load %arg8[%swap3A_197] {strides = array<i32>} : memref<3072xf32, #tpu.memory_space<vmem>>, vector<16xf32>,
    tpu.vector_store %arg8[%swap3A_197], %broadcast_in_dim3A_5 {strides = array<i32>} : memref<3072xf32, #tpu.memory_space<vmem>>, vector<16xf32>,
    %swap3A_199 = arith.constant 1552 : index
    %swap3A_200 = tpu.vector_load %arg8[%swap3A_199] {strides = array<i32>} : memref<3072xf32, #tpu.memory_space<vmem>>, vector<16xf32>,
    tpu.vector_store %arg8[%swap3A_199], %broadcast_in_dim3A_5 {strides = array<i32>} : memref<3072xf32, #tpu.memory_space<vmem>>, vector<16xf32>,
    %swap3A_201 = arith.constant 1568 : index
    %swap3A_202 = tpu.vector_load %arg8[%swap3A_201] {strides = array<i32>} : memref<3072xf32, #tpu.memory_space<vmem>>, vector<16xf32>,
    tpu.vector_store %arg8[%swap3A_201], %broadcast_in_dim3A_5 {strides = array<i32>} : memref<3072xf32, #tpu.memory_space<vmem>>, vector<16xf32>,
    %swap3A_203 = arith.constant 1584 : index
    %swap3A_204 = tpu.vector_load %arg8[%swap3A_203] {strides = array<i32>} : memref<3072xf32, #tpu.memory_space<vmem>>, vector<16xf32>,
    tpu.vector_store %arg8[%swap3A_203], %broadcast_in_dim3A_5 {strides = array<i32>} : memref<3072xf32, #tpu.memory_space<vmem>>, vector<16xf32>,
    %swap3A_205 = arith.constant 1600 : index
    %swap3A_206 = tpu.vector_load %arg8[%swap3A_205] {strides = array<i32>} : memref<3072xf32, #tpu.memory_space<vmem>>, vector<16xf32>,
    tpu.vector_store %arg8[%swap3A_205], %broadcast_in_dim3A_5 {strides = array<i32>} : memref<3072xf32, #tpu.memory_space<vmem>>, vector<16xf32>,
    %swap3A_207 = arith.constant 1616 : index
    %swap3A_208 = tpu.vector_load %arg8[%swap3A_207] {strides = array<i32>} : memref<3072xf32, #tpu.memory_space<vmem>>, vector<16xf32>,
    tpu.vector_store %arg8[%swap3A_207], %broadcast_in_dim3A_5 {strides = array<i32>} : memref<3072xf32, #tpu.memory_space<vmem>>, vector<16xf32>,
    %swap3A_209 = arith.constant 1632 : index
    %swap3A_210 = tpu.vector_load %arg8[%swap3A_209] {strides = array<i32>} : memref<3072xf32, #tpu.memory_space<vmem>>, vector<16xf32>,
    tpu.vector_store %arg8[%swap3A_209], %broadcast_in_dim3A_5 {strides = array<i32>} : memref<3072xf32, #tpu.memory_space<vmem>>, vector<16xf32>,
    %swap3A_211 = arith.constant 1648 : index
    %swap3A_212 = tpu.vector_load %arg8[%swap3A_211] {strides = array<i32>} : memref<3072xf32, #tpu.memory_space<vmem>>, vector<16xf32>,
    tpu.vector_store %arg8[%swap3A_211], %broadcast_in_dim3A_5 {strides = array<i32>} : memref<3072xf32, #tpu.memory_space<vmem>>, vector<16xf32>,
    %swap3A_213 = arith.constant 1664 : index
    %swap3A_214 = tpu.vector_load %arg8[%swap3A_213] {strides = array<i32>} : memref<3072xf32, #tpu.memory_space<vmem>>, vector<16xf32>,
    tpu.vector_store %arg8[%swap3A_213], %broadcast_in_dim3A_5 {strides = array<i32>} : memref<3072xf32, #tpu.memory_space<vmem>>, vector<16xf32>,
    %swap3A_215 = arith.constant 1680 : index
    %swap3A_216 = tpu.vector_load %arg8[%swap3A_215] {strides = array<i32>} : memref<3072xf32, #tpu.memory_space<vmem>>, vector<16xf32>,
    tpu.vector_store %arg8[%swap3A_215], %broadcast_in_dim3A_5 {strides = array<i32>} : memref<3072xf32, #tpu.memory_space<vmem>>, vector<16xf32>,
    %swap3A_217 = arith.constant 1696 : index
    %swap3A_218 = tpu.vector_load %arg8[%swap3A_217] {strides = array<i32>} : memref<3072xf32, #tpu.memory_space<vmem>>, vector<16xf32>,
    tpu.vector_store %arg8[%swap3A_217], %broadcast_in_dim3A_5 {strides = array<i32>} : memref<3072xf32, #tpu.memory_space<vmem>>, vector<16xf32>,
    %swap3A_219 = arith.constant 1712 : index
    %swap3A_220 = tpu.vector_load %arg8[%swap3A_219] {strides = array<i32>} : memref<3072xf32, #tpu.memory_space<vmem>>, vector<16xf32>,
    tpu.vector_store %arg8[%swap3A_219], %broadcast_in_dim3A_5 {strides = array<i32>} : memref<3072xf32, #tpu.memory_space<vmem>>, vector<16xf32>,
    %swap3A_221 = arith.constant 1728 : index
    %swap3A_222 = tpu.vector_load %arg8[%swap3A_221] {strides = array<i32>} : memref<3072xf32, #tpu.memory_space<vmem>>, vector<16xf32>,
    tpu.vector_store %arg8[%swap3A_221], %broadcast_in_dim3A_5 {strides = array<i32>} : memref<3072xf32, #tpu.memory_space<vmem>>, vector<16xf32>,
    %swap3A_223 = arith.constant 1744 : index
    %swap3A_224 = tpu.vector_load %arg8[%swap3A_223] {strides = array<i32>} : memref<3072xf32, #tpu.memory_space<vmem>>, vector<16xf32>,
    tpu.vector_store %arg8[%swap3A_223], %broadcast_in_dim3A_5 {strides = array<i32>} : memref<3072xf32, #tpu.memory_space<vmem>>, vector<16xf32>,
    %swap3A_225 = arith.constant 1760 : index
    %swap3A_226 = tpu.vector_load %arg8[%swap3A_225] {strides = array<i32>} : memref<3072xf32, #tpu.memory_space<vmem>>, vector<16xf32>,
    tpu.vector_store %arg8[%swap3A_225], %broadcast_in_dim3A_5 {strides = array<i32>} : memref<3072xf32, #tpu.memory_space<vmem>>, vector<16xf32>,
    %swap3A_227 = arith.constant 1776 : index
    %swap3A_228 = tpu.vector_load %arg8[%swap3A_227] {strides = array<i32>} : memref<3072xf32, #tpu.memory_space<vmem>>, vector<16xf32>,
    tpu.vector_store %arg8[%swap3A_227], %broadcast_in_dim3A_5 {strides = array<i32>} : memref<3072xf32, #tpu.memory_space<vmem>>, vector<16xf32>,
    %swap3A_229 = arith.constant 1792 : index
    %swap3A_230 = tpu.vector_load %arg8[%swap3A_229] {strides = array<i32>} : memref<3072xf32, #tpu.memory_space<vmem>>, vector<16xf32>,
    tpu.vector_store %arg8[%swap3A_229], %broadcast_in_dim3A_5 {strides = array<i32>} : memref<3072xf32, #tpu.memory_space<vmem>>, vector<16xf32>,
    %swap3A_231 = arith.constant 1808 : index
    %swap3A_232 = tpu.vector_load %arg8[%swap3A_231] {strides = array<i32>} : memref<3072xf32, #tpu.memory_space<vmem>>, vector<16xf32>,
    tpu.vector_store %arg8[%swap3A_231], %broadcast_in_dim3A_5 {strides = array<i32>} : memref<3072xf32, #tpu.memory_space<vmem>>, vector<16xf32>,
    %swap3A_233 = arith.constant 1824 : index
    %swap3A_234 = tpu.vector_load %arg8[%swap3A_233] {strides = array<i32>} : memref<3072xf32, #tpu.memory_space<vmem>>, vector<16xf32>,
    tpu.vector_store %arg8[%swap3A_233], %broadcast_in_dim3A_5 {strides = array<i32>} : memref<3072xf32, #tpu.memory_space<vmem>>, vector<16xf32>,
    %swap3A_235 = arith.constant 1840 : index
    %swap3A_236 = tpu.vector_load %arg8[%swap3A_235] {strides = array<i32>} : memref<3072xf32, #tpu.memory_space<vmem>>, vector<16xf32>,
    tpu.vector_store %arg8[%swap3A_235], %broadcast_in_dim3A_5 {strides = array<i32>} : memref<3072xf32, #tpu.memory_space<vmem>>, vector<16xf32>,
    %swap3A_237 = arith.constant 1856 : index
    %swap3A_238 = tpu.vector_load %arg8[%swap3A_237] {strides = array<i32>} : memref<3072xf32, #tpu.memory_space<vmem>>, vector<16xf32>,
    tpu.vector_store %arg8[%swap3A_237], %broadcast_in_dim3A_5 {strides = array<i32>} : memref<3072xf32, #tpu.memory_space<vmem>>, vector<16xf32>,
    %swap3A_239 = arith.constant 1872 : index
    %swap3A_240 = tpu.vector_load %arg8[%swap3A_239] {strides = array<i32>} : memref<3072xf32, #tpu.memory_space<vmem>>, vector<16xf32>,
    tpu.vector_store %arg8[%swap3A_239], %broadcast_in_dim3A_5 {strides = array<i32>} : memref<3072xf32, #tpu.memory_space<vmem>>, vector<16xf32>,
    %swap3A_241 = arith.constant 1888 : index
    %swap3A_242 = tpu.vector_load %arg8[%swap3A_241] {strides = array<i32>} : memref<3072xf32, #tpu.memory_space<vmem>>, vector<16xf32>,
    tpu.vector_store %arg8[%swap3A_241], %broadcast_in_dim3A_5 {strides = array<i32>} : memref<3072xf32, #tpu.memory_space<vmem>>, vector<16xf32>,
    %swap3A_243 = arith.constant 1904 : index
    %swap3A_244 = tpu.vector_load %arg8[%swap3A_243] {strides = array<i32>} : memref<3072xf32, #tpu.memory_space<vmem>>, vector<16xf32>,
    tpu.vector_store %arg8[%swap3A_243], %broadcast_in_dim3A_5 {strides = array<i32>} : memref<3072xf32, #tpu.memory_space<vmem>>, vector<16xf32>,
    %swap3A_245 = arith.constant 1920 : index
    %swap3A_246 = tpu.vector_load %arg8[%swap3A_245] {strides = array<i32>} : memref<3072xf32, #tpu.memory_space<vmem>>, vector<16xf32>,
    tpu.vector_store %arg8[%swap3A_245], %broadcast_in_dim3A_5 {strides = array<i32>} : memref<3072xf32, #tpu.memory_space<vmem>>, vector<16xf32>,
    %swap3A_247 = arith.constant 1936 : index
    %swap3A_248 = tpu.vector_load %arg8[%swap3A_247] {strides = array<i32>} : memref<3072xf32, #tpu.memory_space<vmem>>, vector<16xf32>,
    tpu.vector_store %arg8[%swap3A_247], %broadcast_in_dim3A_5 {strides = array<i32>} : memref<3072xf32, #tpu.memory_space<vmem>>, vector<16xf32>,
    %swap3A_249 = arith.constant 1952 : index
    %swap3A_250 = tpu.vector_load %arg8[%swap3A_249] {strides = array<i32>} : memref<3072xf32, #tpu.memory_space<vmem>>, vector<16xf32>,
    tpu.vector_store %arg8[%swap3A_249], %broadcast_in_dim3A_5 {strides = array<i32>} : memref<3072xf32, #tpu.memory_space<vmem>>, vector<16xf32>,
    %swap3A_251 = arith.constant 1968 : index
    %swap3A_252 = tpu.vector_load %arg8[%swap3A_251] {strides = array<i32>} : memref<3072xf32, #tpu.memory_space<vmem>>, vector<16xf32>,
    tpu.vector_store %arg8[%swap3A_251], %broadcast_in_dim3A_5 {strides = array<i32>} : memref<3072xf32, #tpu.memory_space<vmem>>, vector<16xf32>,
    %swap3A_253 = arith.constant 1984 : index
    %swap3A_254 = tpu.vector_load %arg8[%swap3A_253] {strides = array<i32>} : memref<3072xf32, #tpu.memory_space<vmem>>, vector<16xf32>,
    tpu.vector_store %arg8[%swap3A_253], %broadcast_in_dim3A_5 {strides = array<i32>} : memref<3072xf32, #tpu.memory_space<vmem>>, vector<16xf32>,
    %swap3A_255 = arith.constant 2000 : index
    %swap3A_256 = tpu.vector_load %arg8[%swap3A_255] {strides = array<i32>} : memref<3072xf32, #tpu.memory_space<vmem>>, vector<16xf32>,
    tpu.vector_store %arg8[%swap3A_255], %broadcast_in_dim3A_5 {strides = array<i32>} : memref<3072xf32, #tpu.memory_space<vmem>>, vector<16xf32>,
    %swap3A_257 = arith.constant 2016 : index
    %swap3A_258 = tpu.vector_load %arg8[%swap3A_257] {strides = array<i32>} : memref<3072xf32, #tpu.memory_space<vmem>>, vector<16xf32>,
    tpu.vector_store %arg8[%swap3A_257], %broadcast_in_dim3A_5 {strides = array<i32>} : memref<3072xf32, #tpu.memory_space<vmem>>, vector<16xf32>,
    %swap3A_259 = arith.constant 2032 : index
    %swap3A_260 = tpu.vector_load %arg8[%swap3A_259] {strides = array<i32>} : memref<3072xf32, #tpu.memory_space<vmem>>, vector<16xf32>,
    tpu.vector_store %arg8[%swap3A_259], %broadcast_in_dim3A_5 {strides = array<i32>} : memref<3072xf32, #tpu.memory_space<vmem>>, vector<16xf32>,
    %swap3A_261 = arith.constant 2048 : index
    %swap3A_262 = tpu.vector_load %arg8[%swap3A_261] {strides = array<i32>} : memref<3072xf32, #tpu.memory_space<vmem>>, vector<16xf32>,
    tpu.vector_store %arg8[%swap3A_261], %broadcast_in_dim3A_5 {strides = array<i32>} : memref<3072xf32, #tpu.memory_space<vmem>>, vector<16xf32>,
    %swap3A_263 = arith.constant 2064 : index
    %swap3A_264 = tpu.vector_load %arg8[%swap3A_263] {strides = array<i32>} : memref<3072xf32, #tpu.memory_space<vmem>>, vector<16xf32>,
    tpu.vector_store %arg8[%swap3A_263], %broadcast_in_dim3A_5 {strides = array<i32>} : memref<3072xf32, #tpu.memory_space<vmem>>, vector<16xf32>,
    %swap3A_265 = arith.constant 2080 : index
    %swap3A_266 = tpu.vector_load %arg8[%swap3A_265] {strides = array<i32>} : memref<3072xf32, #tpu.memory_space<vmem>>, vector<16xf32>,
    tpu.vector_store %arg8[%swap3A_265], %broadcast_in_dim3A_5 {strides = array<i32>} : memref<3072xf32, #tpu.memory_space<vmem>>, vector<16xf32>,
    %swap3A_267 = arith.constant 2096 : index
    %swap3A_268 = tpu.vector_load %arg8[%swap3A_267] {strides = array<i32>} : memref<3072xf32, #tpu.memory_space<vmem>>, vector<16xf32>,
    tpu.vector_store %arg8[%swap3A_267], %broadcast_in_dim3A_5 {strides = array<i32>} : memref<3072xf32, #tpu.memory_space<vmem>>, vector<16xf32>,
    %swap3A_269 = arith.constant 2112 : index
    %swap3A_270 = tpu.vector_load %arg8[%swap3A_269] {strides = array<i32>} : memref<3072xf32, #tpu.memory_space<vmem>>, vector<16xf32>,
    tpu.vector_store %arg8[%swap3A_269], %broadcast_in_dim3A_5 {strides = array<i32>} : memref<3072xf32, #tpu.memory_space<vmem>>, vector<16xf32>,
    %swap3A_271 = arith.constant 2128 : index
    %swap3A_272 = tpu.vector_load %arg8[%swap3A_271] {strides = array<i32>} : memref<3072xf32, #tpu.memory_space<vmem>>, vector<16xf32>,
    tpu.vector_store %arg8[%swap3A_271], %broadcast_in_dim3A_5 {strides = array<i32>} : memref<3072xf32, #tpu.memory_space<vmem>>, vector<16xf32>,
    %swap3A_273 = arith.constant 2144 : index
    %swap3A_274 = tpu.vector_load %arg8[%swap3A_273] {strides = array<i32>} : memref<3072xf32, #tpu.memory_space<vmem>>, vector<16xf32>,
    tpu.vector_store %arg8[%swap3A_273], %broadcast_in_dim3A_5 {strides = array<i32>} : memref<3072xf32, #tpu.memory_space<vmem>>, vector<16xf32>,
    %swap3A_275 = arith.constant 2160 : index
    %swap3A_276 = tpu.vector_load %arg8[%swap3A_275] {strides = array<i32>} : memref<3072xf32, #tpu.memory_space<vmem>>, vector<16xf32>,
    tpu.vector_store %arg8[%swap3A_275], %broadcast_in_dim3A_5 {strides = array<i32>} : memref<3072xf32, #tpu.memory_space<vmem>>, vector<16xf32>,
    %swap3A_277 = arith.constant 2176 : index
    %swap3A_278 = tpu.vector_load %arg8[%swap3A_277] {strides = array<i32>} : memref<3072xf32, #tpu.memory_space<vmem>>, vector<16xf32>,
    tpu.vector_store %arg8[%swap3A_277], %broadcast_in_dim3A_5 {strides = array<i32>} : memref<3072xf32, #tpu.memory_space<vmem>>, vector<16xf32>,
    %swap3A_279 = arith.constant 2192 : index
    %swap3A_280 = tpu.vector_load %arg8[%swap3A_279] {strides = array<i32>} : memref<3072xf32, #tpu.memory_space<vmem>>, vector<16xf32>,
    tpu.vector_store %arg8[%swap3A_279], %broadcast_in_dim3A_5 {strides = array<i32>} : memref<3072xf32, #tpu.memory_space<vmem>>, vector<16xf32>,
    %swap3A_281 = arith.constant 2208 : index
    %swap3A_282 = tpu.vector_load %arg8[%swap3A_281] {strides = array<i32>} : memref<3072xf32, #tpu.memory_space<vmem>>, vector<16xf32>,
    tpu.vector_store %arg8[%swap3A_281], %broadcast_in_dim3A_5 {strides = array<i32>} : memref<3072xf32, #tpu.memory_space<vmem>>, vector<16xf32>,
    %swap3A_283 = arith.constant 2224 : index
    %swap3A_284 = tpu.vector_load %arg8[%swap3A_283] {strides = array<i32>} : memref<3072xf32, #tpu.memory_space<vmem>>, vector<16xf32>,
    tpu.vector_store %arg8[%swap3A_283], %broadcast_in_dim3A_5 {strides = array<i32>} : memref<3072xf32, #tpu.memory_space<vmem>>, vector<16xf32>,
    %swap3A_285 = arith.constant 2240 : index
    %swap3A_286 = tpu.vector_load %arg8[%swap3A_285] {strides = array<i32>} : memref<3072xf32, #tpu.memory_space<vmem>>, vector<16xf32>,
    tpu.vector_store %arg8[%swap3A_285], %broadcast_in_dim3A_5 {strides = array<i32>} : memref<3072xf32, #tpu.memory_space<vmem>>, vector<16xf32>,
    %swap3A_287 = arith.constant 2256 : index
    %swap3A_288 = tpu.vector_load %arg8[%swap3A_287] {strides = array<i32>} : memref<3072xf32, #tpu.memory_space<vmem>>, vector<16xf32>,
    tpu.vector_store %arg8[%swap3A_287], %broadcast_in_dim3A_5 {strides = array<i32>} : memref<3072xf32, #tpu.memory_space<vmem>>, vector<16xf32>,
    %swap3A_289 = arith.constant 2272 : index
    %swap3A_290 = tpu.vector_load %arg8[%swap3A_289] {strides = array<i32>} : memref<3072xf32, #tpu.memory_space<vmem>>, vector<16xf32>,
    tpu.vector_store %arg8[%swap3A_289], %broadcast_in_dim3A_5 {strides = array<i32>} : memref<3072xf32, #tpu.memory_space<vmem>>, vector<16xf32>,
    %swap3A_291 = arith.constant 2288 : index
    %swap3A_292 = tpu.vector_load %arg8[%swap3A_291] {strides = array<i32>} : memref<3072xf32, #tpu.memory_space<vmem>>, vector<16xf32>,
    tpu.vector_store %arg8[%swap3A_291], %broadcast_in_dim3A_5 {strides = array<i32>} : memref<3072xf32, #tpu.memory_space<vmem>>, vector<16xf32>,
    %swap3A_293 = arith.constant 2304 : index
    %swap3A_294 = tpu.vector_load %arg8[%swap3A_293] {strides = array<i32>} : memref<3072xf32, #tpu.memory_space<vmem>>, vector<16xf32>,
    tpu.vector_store %arg8[%swap3A_293], %broadcast_in_dim3A_5 {strides = array<i32>} : memref<3072xf32, #tpu.memory_space<vmem>>, vector<16xf32>,
    %swap3A_295 = arith.constant 2320 : index
    %swap3A_296 = tpu.vector_load %arg8[%swap3A_295] {strides = array<i32>} : memref<3072xf32, #tpu.memory_space<vmem>>, vector<16xf32>,
    tpu.vector_store %arg8[%swap3A_295], %broadcast_in_dim3A_5 {strides = array<i32>} : memref<3072xf32, #tpu.memory_space<vmem>>, vector<16xf32>,
    %swap3A_297 = arith.constant 2336 : index
    %swap3A_298 = tpu.vector_load %arg8[%swap3A_297] {strides = array<i32>} : memref<3072xf32, #tpu.memory_space<vmem>>, vector<16xf32>,
    tpu.vector_store %arg8[%swap3A_297], %broadcast_in_dim3A_5 {strides = array<i32>} : memref<3072xf32, #tpu.memory_space<vmem>>, vector<16xf32>,
    %swap3A_299 = arith.constant 2352 : index
    %swap3A_300 = tpu.vector_load %arg8[%swap3A_299] {strides = array<i32>} : memref<3072xf32, #tpu.memory_space<vmem>>, vector<16xf32>,
    tpu.vector_store %arg8[%swap3A_299], %broadcast_in_dim3A_5 {strides = array<i32>} : memref<3072xf32, #tpu.memory_space<vmem>>, vector<16xf32>,
    %swap3A_301 = arith.constant 2368 : index
    %swap3A_302 = tpu.vector_load %arg8[%swap3A_301] {strides = array<i32>} : memref<3072xf32, #tpu.memory_space<vmem>>, vector<16xf32>,
    tpu.vector_store %arg8[%swap3A_301], %broadcast_in_dim3A_5 {strides = array<i32>} : memref<3072xf32, #tpu.memory_space<vmem>>, vector<16xf32>,
    %swap3A_303 = arith.constant 2384 : index
    %swap3A_304 = tpu.vector_load %arg8[%swap3A_303] {strides = array<i32>} : memref<3072xf32, #tpu.memory_space<vmem>>, vector<16xf32>,
    tpu.vector_store %arg8[%swap3A_303], %broadcast_in_dim3A_5 {strides = array<i32>} : memref<3072xf32, #tpu.memory_space<vmem>>, vector<16xf32>,
    %swap3A_305 = arith.constant 2400 : index
    %swap3A_306 = tpu.vector_load %arg8[%swap3A_305] {strides = array<i32>} : memref<3072xf32, #tpu.memory_space<vmem>>, vector<16xf32>,
    tpu.vector_store %arg8[%swap3A_305], %broadcast_in_dim3A_5 {strides = array<i32>} : memref<3072xf32, #tpu.memory_space<vmem>>, vector<16xf32>,
    %swap3A_307 = arith.constant 2416 : index
    %swap3A_308 = tpu.vector_load %arg8[%swap3A_307] {strides = array<i32>} : memref<3072xf32, #tpu.memory_space<vmem>>, vector<16xf32>,
    tpu.vector_store %arg8[%swap3A_307], %broadcast_in_dim3A_5 {strides = array<i32>} : memref<3072xf32, #tpu.memory_space<vmem>>, vector<16xf32>,
    %swap3A_309 = arith.constant 2432 : index
    %swap3A_310 = tpu.vector_load %arg8[%swap3A_309] {strides = array<i32>} : memref<3072xf32, #tpu.memory_space<vmem>>, vector<16xf32>,
    tpu.vector_store %arg8[%swap3A_309], %broadcast_in_dim3A_5 {strides = array<i32>} : memref<3072xf32, #tpu.memory_space<vmem>>, vector<16xf32>,
    %swap3A_311 = arith.constant 2448 : index
    %swap3A_312 = tpu.vector_load %arg8[%swap3A_311] {strides = array<i32>} : memref<3072xf32, #tpu.memory_space<vmem>>, vector<16xf32>,
    tpu.vector_store %arg8[%swap3A_311], %broadcast_in_dim3A_5 {strides = array<i32>} : memref<3072xf32, #tpu.memory_space<vmem>>, vector<16xf32>,
    %swap3A_313 = arith.constant 2464 : index
    %swap3A_314 = tpu.vector_load %arg8[%swap3A_313] {strides = array<i32>} : memref<3072xf32, #tpu.memory_space<vmem>>, vector<16xf32>,
    tpu.vector_store %arg8[%swap3A_313], %broadcast_in_dim3A_5 {strides = array<i32>} : memref<3072xf32, #tpu.memory_space<vmem>>, vector<16xf32>,
    %swap3A_315 = arith.constant 2480 : index
    %swap3A_316 = tpu.vector_load %arg8[%swap3A_315] {strides = array<i32>} : memref<3072xf32, #tpu.memory_space<vmem>>, vector<16xf32>,
    tpu.vector_store %arg8[%swap3A_315], %broadcast_in_dim3A_5 {strides = array<i32>} : memref<3072xf32, #tpu.memory_space<vmem>>, vector<16xf32>,
    %swap3A_317 = arith.constant 2496 : index
    %swap3A_318 = tpu.vector_load %arg8[%swap3A_317] {strides = array<i32>} : memref<3072xf32, #tpu.memory_space<vmem>>, vector<16xf32>,
    tpu.vector_store %arg8[%swap3A_317], %broadcast_in_dim3A_5 {strides = array<i32>} : memref<3072xf32, #tpu.memory_space<vmem>>, vector<16xf32>,
    %swap3A_319 = arith.constant 2512 : index
    %swap3A_320 = tpu.vector_load %arg8[%swap3A_319] {strides = array<i32>} : memref<3072xf32, #tpu.memory_space<vmem>>, vector<16xf32>,
    tpu.vector_store %arg8[%swap3A_319], %broadcast_in_dim3A_5 {strides = array<i32>} : memref<3072xf32, #tpu.memory_space<vmem>>, vector<16xf32>,
    %swap3A_321 = arith.constant 2528 : index
    %swap3A_322 = tpu.vector_load %arg8[%swap3A_321] {strides = array<i32>} : memref<3072xf32, #tpu.memory_space<vmem>>, vector<16xf32>,
    tpu.vector_store %arg8[%swap3A_321], %broadcast_in_dim3A_5 {strides = array<i32>} : memref<3072xf32, #tpu.memory_space<vmem>>, vector<16xf32>,
    %swap3A_323 = arith.constant 2544 : index
    %swap3A_324 = tpu.vector_load %arg8[%swap3A_323] {strides = array<i32>} : memref<3072xf32, #tpu.memory_space<vmem>>, vector<16xf32>,
    tpu.vector_store %arg8[%swap3A_323], %broadcast_in_dim3A_5 {strides = array<i32>} : memref<3072xf32, #tpu.memory_space<vmem>>, vector<16xf32>,
    %swap3A_325 = arith.constant 2560 : index
    %swap3A_326 = tpu.vector_load %arg8[%swap3A_325] {strides = array<i32>} : memref<3072xf32, #tpu.memory_space<vmem>>, vector<16xf32>,
    tpu.vector_store %arg8[%swap3A_325], %broadcast_in_dim3A_5 {strides = array<i32>} : memref<3072xf32, #tpu.memory_space<vmem>>, vector<16xf32>,
    %swap3A_327 = arith.constant 2576 : index
    %swap3A_328 = tpu.vector_load %arg8[%swap3A_327] {strides = array<i32>} : memref<3072xf32, #tpu.memory_space<vmem>>, vector<16xf32>,
    tpu.vector_store %arg8[%swap3A_327], %broadcast_in_dim3A_5 {strides = array<i32>} : memref<3072xf32, #tpu.memory_space<vmem>>, vector<16xf32>,
    %swap3A_329 = arith.constant 2592 : index
    %swap3A_330 = tpu.vector_load %arg8[%swap3A_329] {strides = array<i32>} : memref<3072xf32, #tpu.memory_space<vmem>>, vector<16xf32>,
    tpu.vector_store %arg8[%swap3A_329], %broadcast_in_dim3A_5 {strides = array<i32>} : memref<3072xf32, #tpu.memory_space<vmem>>, vector<16xf32>,
    %swap3A_331 = arith.constant 2608 : index
    %swap3A_332 = tpu.vector_load %arg8[%swap3A_331] {strides = array<i32>} : memref<3072xf32, #tpu.memory_space<vmem>>, vector<16xf32>,
    tpu.vector_store %arg8[%swap3A_331], %broadcast_in_dim3A_5 {strides = array<i32>} : memref<3072xf32, #tpu.memory_space<vmem>>, vector<16xf32>,
    %swap3A_333 = arith.constant 2624 : index
    %swap3A_334 = tpu.vector_load %arg8[%swap3A_333] {strides = array<i32>} : memref<3072xf32, #tpu.memory_space<vmem>>, vector<16xf32>,
    tpu.vector_store %arg8[%swap3A_333], %broadcast_in_dim3A_5 {strides = array<i32>} : memref<3072xf32, #tpu.memory_space<vmem>>, vector<16xf32>,
    %swap3A_335 = arith.constant 2640 : index
    %swap3A_336 = tpu.vector_load %arg8[%swap3A_335] {strides = array<i32>} : memref<3072xf32, #tpu.memory_space<vmem>>, vector<16xf32>,
    tpu.vector_store %arg8[%swap3A_335], %broadcast_in_dim3A_5 {strides = array<i32>} : memref<3072xf32, #tpu.memory_space<vmem>>, vector<16xf32>,
    %swap3A_337 = arith.constant 2656 : index
    %swap3A_338 = tpu.vector_load %arg8[%swap3A_337] {strides = array<i32>} : memref<3072xf32, #tpu.memory_space<vmem>>, vector<16xf32>,
    tpu.vector_store %arg8[%swap3A_337], %broadcast_in_dim3A_5 {strides = array<i32>} : memref<3072xf32, #tpu.memory_space<vmem>>, vector<16xf32>,
    %swap3A_339 = arith.constant 2672 : index
    %swap3A_340 = tpu.vector_load %arg8[%swap3A_339] {strides = array<i32>} : memref<3072xf32, #tpu.memory_space<vmem>>, vector<16xf32>,
    tpu.vector_store %arg8[%swap3A_339], %broadcast_in_dim3A_5 {strides = array<i32>} : memref<3072xf32, #tpu.memory_space<vmem>>, vector<16xf32>,
    %swap3A_341 = arith.constant 2688 : index
    %swap3A_342 = tpu.vector_load %arg8[%swap3A_341] {strides = array<i32>} : memref<3072xf32, #tpu.memory_space<vmem>>, vector<16xf32>,
    tpu.vector_store %arg8[%swap3A_341], %broadcast_in_dim3A_5 {strides = array<i32>} : memref<3072xf32, #tpu.memory_space<vmem>>, vector<16xf32>,
    %swap3A_343 = arith.constant 2704 : index
    %swap3A_344 = tpu.vector_load %arg8[%swap3A_343] {strides = array<i32>} : memref<3072xf32, #tpu.memory_space<vmem>>, vector<16xf32>,
    tpu.vector_store %arg8[%swap3A_343], %broadcast_in_dim3A_5 {strides = array<i32>} : memref<3072xf32, #tpu.memory_space<vmem>>, vector<16xf32>,
    %swap3A_345 = arith.constant 2720 : index
    %swap3A_346 = tpu.vector_load %arg8[%swap3A_345] {strides = array<i32>} : memref<3072xf32, #tpu.memory_space<vmem>>, vector<16xf32>,
    tpu.vector_store %arg8[%swap3A_345], %broadcast_in_dim3A_5 {strides = array<i32>} : memref<3072xf32, #tpu.memory_space<vmem>>, vector<16xf32>,
    %swap3A_347 = arith.constant 2736 : index
    %swap3A_348 = tpu.vector_load %arg8[%swap3A_347] {strides = array<i32>} : memref<3072xf32, #tpu.memory_space<vmem>>, vector<16xf32>,
    tpu.vector_store %arg8[%swap3A_347], %broadcast_in_dim3A_5 {strides = array<i32>} : memref<3072xf32, #tpu.memory_space<vmem>>, vector<16xf32>,
    %swap3A_349 = arith.constant 2752 : index
    %swap3A_350 = tpu.vector_load %arg8[%swap3A_349] {strides = array<i32>} : memref<3072xf32, #tpu.memory_space<vmem>>, vector<16xf32>,
    tpu.vector_store %arg8[%swap3A_349], %broadcast_in_dim3A_5 {strides = array<i32>} : memref<3072xf32, #tpu.memory_space<vmem>>, vector<16xf32>,
    %swap3A_351 = arith.constant 2768 : index
    %swap3A_352 = tpu.vector_load %arg8[%swap3A_351] {strides = array<i32>} : memref<3072xf32, #tpu.memory_space<vmem>>, vector<16xf32>,
    tpu.vector_store %arg8[%swap3A_351], %broadcast_in_dim3A_5 {strides = array<i32>} : memref<3072xf32, #tpu.memory_space<vmem>>, vector<16xf32>,
    %swap3A_353 = arith.constant 2784 : index
    %swap3A_354 = tpu.vector_load %arg8[%swap3A_353] {strides = array<i32>} : memref<3072xf32, #tpu.memory_space<vmem>>, vector<16xf32>,
    tpu.vector_store %arg8[%swap3A_353], %broadcast_in_dim3A_5 {strides = array<i32>} : memref<3072xf32, #tpu.memory_space<vmem>>, vector<16xf32>,
    %swap3A_355 = arith.constant 2800 : index
    %swap3A_356 = tpu.vector_load %arg8[%swap3A_355] {strides = array<i32>} : memref<3072xf32, #tpu.memory_space<vmem>>, vector<16xf32>,
    tpu.vector_store %arg8[%swap3A_355], %broadcast_in_dim3A_5 {strides = array<i32>} : memref<3072xf32, #tpu.memory_space<vmem>>, vector<16xf32>,
    %swap3A_357 = arith.constant 2816 : index
    %swap3A_358 = tpu.vector_load %arg8[%swap3A_357] {strides = array<i32>} : memref<3072xf32, #tpu.memory_space<vmem>>, vector<16xf32>,
    tpu.vector_store %arg8[%swap3A_357], %broadcast_in_dim3A_5 {strides = array<i32>} : memref<3072xf32, #tpu.memory_space<vmem>>, vector<16xf32>,
    %swap3A_359 = arith.constant 2832 : index
    %swap3A_360 = tpu.vector_load %arg8[%swap3A_359] {strides = array<i32>} : memref<3072xf32, #tpu.memory_space<vmem>>, vector<16xf32>,
    tpu.vector_store %arg8[%swap3A_359], %broadcast_in_dim3A_5 {strides = array<i32>} : memref<3072xf32, #tpu.memory_space<vmem>>, vector<16xf32>,
    %swap3A_361 = arith.constant 2848 : index
    %swap3A_362 = tpu.vector_load %arg8[%swap3A_361] {strides = array<i32>} : memref<3072xf32, #tpu.memory_space<vmem>>, vector<16xf32>,
    tpu.vector_store %arg8[%swap3A_361], %broadcast_in_dim3A_5 {strides = array<i32>} : memref<3072xf32, #tpu.memory_space<vmem>>, vector<16xf32>,
    %swap3A_363 = arith.constant 2864 : index
    %swap3A_364 = tpu.vector_load %arg8[%swap3A_363] {strides = array<i32>} : memref<3072xf32, #tpu.memory_space<vmem>>, vector<16xf32>,
    tpu.vector_store %arg8[%swap3A_363], %broadcast_in_dim3A_5 {strides = array<i32>} : memref<3072xf32, #tpu.memory_space<vmem>>, vector<16xf32>,
    %swap3A_365 = arith.constant 2880 : index
    %swap3A_366 = tpu.vector_load %arg8[%swap3A_365] {strides = array<i32>} : memref<3072xf32, #tpu.memory_space<vmem>>, vector<16xf32>,
    tpu.vector_store %arg8[%swap3A_365], %broadcast_in_dim3A_5 {strides = array<i32>} : memref<3072xf32, #tpu.memory_space<vmem>>, vector<16xf32>,
    %swap3A_367 = arith.constant 2896 : index
    %swap3A_368 = tpu.vector_load %arg8[%swap3A_367] {strides = array<i32>} : memref<3072xf32, #tpu.memory_space<vmem>>, vector<16xf32>,
    tpu.vector_store %arg8[%swap3A_367], %broadcast_in_dim3A_5 {strides = array<i32>} : memref<3072xf32, #tpu.memory_space<vmem>>, vector<16xf32>,
    %swap3A_369 = arith.constant 2912 : index
    %swap3A_370 = tpu.vector_load %arg8[%swap3A_369] {strides = array<i32>} : memref<3072xf32, #tpu.memory_space<vmem>>, vector<16xf32>,
    tpu.vector_store %arg8[%swap3A_369], %broadcast_in_dim3A_5 {strides = array<i32>} : memref<3072xf32, #tpu.memory_space<vmem>>, vector<16xf32>,
    %swap3A_371 = arith.constant 2928 : index
    %swap3A_372 = tpu.vector_load %arg8[%swap3A_371] {strides = array<i32>} : memref<3072xf32, #tpu.memory_space<vmem>>, vector<16xf32>,
    tpu.vector_store %arg8[%swap3A_371], %broadcast_in_dim3A_5 {strides = array<i32>} : memref<3072xf32, #tpu.memory_space<vmem>>, vector<16xf32>,
    %swap3A_373 = arith.constant 2944 : index
    %swap3A_374 = tpu.vector_load %arg8[%swap3A_373] {strides = array<i32>} : memref<3072xf32, #tpu.memory_space<vmem>>, vector<16xf32>,
    tpu.vector_store %arg8[%swap3A_373], %broadcast_in_dim3A_5 {strides = array<i32>} : memref<3072xf32, #tpu.memory_space<vmem>>, vector<16xf32>,
    %swap3A_375 = arith.constant 2960 : index
    %swap3A_376 = tpu.vector_load %arg8[%swap3A_375] {strides = array<i32>} : memref<3072xf32, #tpu.memory_space<vmem>>, vector<16xf32>,
    tpu.vector_store %arg8[%swap3A_375], %broadcast_in_dim3A_5 {strides = array<i32>} : memref<3072xf32, #tpu.memory_space<vmem>>, vector<16xf32>,
    %swap3A_377 = arith.constant 2976 : index
    %swap3A_378 = tpu.vector_load %arg8[%swap3A_377] {strides = array<i32>} : memref<3072xf32, #tpu.memory_space<vmem>>, vector<16xf32>,
    tpu.vector_store %arg8[%swap3A_377], %broadcast_in_dim3A_5 {strides = array<i32>} : memref<3072xf32, #tpu.memory_space<vmem>>, vector<16xf32>,
    %swap3A_379 = arith.constant 2992 : index
    %swap3A_380 = tpu.vector_load %arg8[%swap3A_379] {strides = array<i32>} : memref<3072xf32, #tpu.memory_space<vmem>>, vector<16xf32>,
    tpu.vector_store %arg8[%swap3A_379], %broadcast_in_dim3A_5 {strides = array<i32>} : memref<3072xf32, #tpu.memory_space<vmem>>, vector<16xf32>,
    %swap3A_381 = arith.constant 3008 : index
    %swap3A_382 = tpu.vector_load %arg8[%swap3A_381] {strides = array<i32>} : memref<3072xf32, #tpu.memory_space<vmem>>, vector<16xf32>,
    tpu.vector_store %arg8[%swap3A_381], %broadcast_in_dim3A_5 {strides = array<i32>} : memref<3072xf32, #tpu.memory_space<vmem>>, vector<16xf32>,
    %swap3A_383 = arith.constant 3024 : index
    %swap3A_384 = tpu.vector_load %arg8[%swap3A_383] {strides = array<i32>} : memref<3072xf32, #tpu.memory_space<vmem>>, vector<16xf32>,
    tpu.vector_store %arg8[%swap3A_383], %broadcast_in_dim3A_5 {strides = array<i32>} : memref<3072xf32, #tpu.memory_space<vmem>>, vector<16xf32>,
    %swap3A_385 = arith.constant 3040 : index
    %swap3A_386 = tpu.vector_load %arg8[%swap3A_385] {strides = array<i32>} : memref<3072xf32, #tpu.memory_space<vmem>>, vector<16xf32>,
    tpu.vector_store %arg8[%swap3A_385], %broadcast_in_dim3A_5 {strides = array<i32>} : memref<3072xf32, #tpu.memory_space<vmem>>, vector<16xf32>,
    %swap3A_387 = arith.constant 3056 : index
    %swap3A_388 = tpu.vector_load %arg8[%swap3A_387] {strides = array<i32>} : memref<3072xf32, #tpu.memory_space<vmem>>, vector<16xf32>,
    tpu.vector_store %arg8[%swap3A_387], %broadcast_in_dim3A_5 {strides = array<i32>} : memref<3072xf32, #tpu.memory_space<vmem>>, vector<16xf32>,
    %broadcast_in_dim3A_389 = arith.constant 1.000000e+00 : f32
    %broadcast_in_dim3A_390 = vector.broadcast %broadcast_in_dim3A_389 : f32 to vector<16xf32>
    %get3A = arith.constant 0 : index
    %get3A_391 = tpu.vector_load %arg6[%get3A] {strides = array<i32>} : memref<128xi32, #tpu.memory_space<vmem>>, vector<16xi32>,
    tpu.vector_store_idx %arg8[%get3A_391], %broadcast_in_dim3A_390 : memref<3072xf32, #tpu.memory_space<vmem>>[vector<16xi32>], vector<16xf32>,
    %get3A_392 = arith.constant 16 : index
    %get3A_393 = tpu.vector_load %arg6[%get3A_392] {strides = array<i32>} : memref<128xi32, #tpu.memory_space<vmem>>, vector<16xi32>,
    tpu.vector_store_idx %arg8[%get3A_393], %broadcast_in_dim3A_390 : memref<3072xf32, #tpu.memory_space<vmem>>[vector<16xi32>], vector<16xf32>,
    %get3A_394 = arith.constant 32 : index
    %get3A_395 = tpu.vector_load %arg6[%get3A_394] {strides = array<i32>} : memref<128xi32, #tpu.memory_space<vmem>>, vector<16xi32>,
    tpu.vector_store_idx %arg8[%get3A_395], %broadcast_in_dim3A_390 : memref<3072xf32, #tpu.memory_space<vmem>>[vector<16xi32>], vector<16xf32>,
    %get3A_396 = arith.constant 48 : index
    %get3A_397 = tpu.vector_load %arg6[%get3A_396] {strides = array<i32>} : memref<128xi32, #tpu.memory_space<vmem>>, vector<16xi32>,
    tpu.vector_store_idx %arg8[%get3A_397], %broadcast_in_dim3A_390 : memref<3072xf32, #tpu.memory_space<vmem>>[vector<16xi32>], vector<16xf32>,
    %get3A_398 = arith.constant 64 : index
    %get3A_399 = tpu.vector_load %arg6[%get3A_398] {strides = array<i32>} : memref<128xi32, #tpu.memory_space<vmem>>, vector<16xi32>,
    tpu.vector_store_idx %arg8[%get3A_399], %broadcast_in_dim3A_390 : memref<3072xf32, #tpu.memory_space<vmem>>[vector<16xi32>], vector<16xf32>,
    %get3A_400 = arith.constant 80 : index
    %get3A_401 = tpu.vector_load %arg6[%get3A_400] {strides = array<i32>} : memref<128xi32, #tpu.memory_space<vmem>>, vector<16xi32>,
    tpu.vector_store_idx %arg8[%get3A_401], %broadcast_in_dim3A_390 : memref<3072xf32, #tpu.memory_space<vmem>>[vector<16xi32>], vector<16xf32>,
    %get3A_402 = arith.constant 96 : index
    %get3A_403 = tpu.vector_load %arg6[%get3A_402] {strides = array<i32>} : memref<128xi32, #tpu.memory_space<vmem>>, vector<16xi32>,
    tpu.vector_store_idx %arg8[%get3A_403], %broadcast_in_dim3A_390 : memref<3072xf32, #tpu.memory_space<vmem>>[vector<16xi32>], vector<16xf32>,
    %get3A_404 = arith.constant 112 : index
    %get3A_405 = tpu.vector_load %arg6[%get3A_404] {strides = array<i32>} : memref<128xi32, #tpu.memory_space<vmem>>, vector<16xi32>,
    tpu.vector_store_idx %arg8[%get3A_405], %broadcast_in_dim3A_390 : memref<3072xf32, #tpu.memory_space<vmem>>[vector<16xi32>], vector<16xf32>,
    "tpu.region"() ({
      %run_scoped3A = tpu.sem_alloc : memref<!tpu.dma_semaphore, #tpu.memory_space<semaphore_mem>>
      %dma_start3A_464 = arith.constant 0 : i32
      %dma_start3A_465 = tpu.memref_slice %arg4[%add3A, %dma_start3A_464] : memref<32x3072xf32, #tpu.memory_space<hbm>> -> memref<1x3072xf32, #tpu.memory_space<hbm>>
      %dma_start3A_466 = tpu.memref_squeeze %dma_start3A_465 : memref<1x3072xf32, #tpu.memory_space<hbm>> -> memref<3072xf32, #tpu.memory_space<hbm>>
      %dma_start3A_467 = arith.constant 0 : i32
      %dma_start3A_468 = tpu.memref_slice %arg4[%add3A, %dma_start3A_467] : memref<32x3072xf32, #tpu.memory_space<hbm>> -> memref<1x3072xf32, #tpu.memory_space<hbm>>
      %dma_start3A_469 = tpu.memref_squeeze %dma_start3A_468 : memref<1x3072xf32, #tpu.memory_space<hbm>> -> memref<3072xf32, #tpu.memory_space<hbm>>
      tpu.enqueue_dma source(%arg8 : memref<3072xf32, #tpu.memory_space<vmem>>) target(%dma_start3A_469 : memref<3072xf32, #tpu.memory_space<hbm>>) target_semaphore(%run_scoped3A : memref<!tpu.dma_semaphore, #tpu.memory_space<semaphore_mem>>)
      %dma_wait3A_470 = arith.constant 0 : i32
      %dma_wait3A_471 = tpu.memref_slice %arg4[%add3A, %dma_wait3A_470] : memref<32x3072xf32, #tpu.memory_space<hbm>> -> memref<1x3072xf32, #tpu.memory_space<hbm>>
      %dma_wait3A_472 = tpu.memref_squeeze %dma_wait3A_471 : memref<1x3072xf32, #tpu.memory_space<hbm>> -> memref<3072xf32, #tpu.memory_space<hbm>>
      %dma_wait3A_473 = arith.constant 0 : i32
      %dma_wait3A_474 = tpu.memref_slice %arg4[%add3A, %dma_wait3A_473] : memref<32x3072xf32, #tpu.memory_space<hbm>> -> memref<1x3072xf32, #tpu.memory_space<hbm>>
      %dma_wait3A_475 = tpu.memref_squeeze %dma_wait3A_474 : memref<1x3072xf32, #tpu.memory_space<hbm>> -> memref<3072xf32, #tpu.memory_space<hbm>>
      tpu.wait_dma2 semaphore(%run_scoped3A : memref<!tpu.dma_semaphore, #tpu.memory_space<semaphore_mem>>) src(%arg8 : memref<3072xf32, #tpu.memory_space<vmem>>) dst(%dma_wait3A_475 : memref<3072xf32, #tpu.memory_space<hbm>>)
      tpu.yield
    }) : () -> ()
    %dma_wait3A = arith.constant 0 : i32
    %dma_wait3A_406 = arith.constant 0 : i32
    %dma_wait3A_407 = tpu.memref_slice %arg3[%dma_wait3A, %dma_wait3A_406] : memref<3072x128xf32, #tpu.memory_space<hbm>> -> memref<3072x128xf32, #tpu.memory_space<hbm>>
    tpu.wait_indirect_dma semaphore(%arg9 : memref<!tpu.dma_semaphore, #tpu.memory_space<semaphore_mem>>) src(%dma_wait3A_407 : memref<3072x128xf32, #tpu.memory_space<hbm>>) dst(%arg7 : memref<128x128xf32, #tpu.memory_space<vmem>>)
    %broadcast_in_dim3A_408 = arith.constant 32 : i32
    %broadcast_in_dim3A_409 = vector.broadcast %broadcast_in_dim3A_408 : i32 to vector<16xi32>
    %iota3A = tpu.iota {dimensions = array<i32: 0>} : vector<16xi32>
    %add3A_410 = arith.constant 0 : i32
    %add3A_411 = vector.broadcast %add3A_410 : i32 to vector<16xi32>
    %add3A_412 = arith.addi %iota3A, %add3A_411 : vector<16xi32>
    %get3A_413 = arith.constant 0 : index
    %get3A_414 = tpu.vector_load %arg6[%get3A_413] {strides = array<i32>} : memref<128xi32, #tpu.memory_space<vmem>>, vector<16xi32>,
    %convert_element_type3A = arith.sitofp %get3A_414 : vector<16xi32> to vector<16xf32>
    tpu.vector_store_idx %arg7[%add3A_412, %broadcast_in_dim3A_409], %convert_element_type3A : memref<128x128xf32, #tpu.memory_space<vmem>>[vector<16xi32>, vector<16xi32>], vector<16xf32>,
    %iota3A_415 = tpu.iota {dimensions = array<i32: 0>} : vector<16xi32>
    %add3A_416 = arith.constant 16 : i32
    %add3A_417 = vector.broadcast %add3A_416 : i32 to vector<16xi32>
    %add3A_418 = arith.addi %iota3A_415, %add3A_417 : vector<16xi32>
    %get3A_419 = arith.constant 16 : index
    %get3A_420 = tpu.vector_load %arg6[%get3A_419] {strides = array<i32>} : memref<128xi32, #tpu.memory_space<vmem>>, vector<16xi32>,
    %convert_element_type3A_421 = arith.sitofp %get3A_420 : vector<16xi32> to vector<16xf32>
    tpu.vector_store_idx %arg7[%add3A_418, %broadcast_in_dim3A_409], %convert_element_type3A_421 : memref<128x128xf32, #tpu.memory_space<vmem>>[vector<16xi32>, vector<16xi32>], vector<16xf32>,
    %iota3A_422 = tpu.iota {dimensions = array<i32: 0>} : vector<16xi32>
    %add3A_423 = arith.constant 32 : i32
    %add3A_424 = vector.broadcast %add3A_423 : i32 to vector<16xi32>
    %add3A_425 = arith.addi %iota3A_422, %add3A_424 : vector<16xi32>
    %get3A_426 = arith.constant 32 : index
    %get3A_427 = tpu.vector_load %arg6[%get3A_426] {strides = array<i32>} : memref<128xi32, #tpu.memory_space<vmem>>, vector<16xi32>,
    %convert_element_type3A_428 = arith.sitofp %get3A_427 : vector<16xi32> to vector<16xf32>
    tpu.vector_store_idx %arg7[%add3A_425, %broadcast_in_dim3A_409], %convert_element_type3A_428 : memref<128x128xf32, #tpu.memory_space<vmem>>[vector<16xi32>, vector<16xi32>], vector<16xf32>,
    %iota3A_429 = tpu.iota {dimensions = array<i32: 0>} : vector<16xi32>
    %add3A_430 = arith.constant 48 : i32
    %add3A_431 = vector.broadcast %add3A_430 : i32 to vector<16xi32>
    %add3A_432 = arith.addi %iota3A_429, %add3A_431 : vector<16xi32>
    %get3A_433 = arith.constant 48 : index
    %get3A_434 = tpu.vector_load %arg6[%get3A_433] {strides = array<i32>} : memref<128xi32, #tpu.memory_space<vmem>>, vector<16xi32>,
    %convert_element_type3A_435 = arith.sitofp %get3A_434 : vector<16xi32> to vector<16xf32>
    tpu.vector_store_idx %arg7[%add3A_432, %broadcast_in_dim3A_409], %convert_element_type3A_435 : memref<128x128xf32, #tpu.memory_space<vmem>>[vector<16xi32>, vector<16xi32>], vector<16xf32>,
    %iota3A_436 = tpu.iota {dimensions = array<i32: 0>} : vector<16xi32>
    %add3A_437 = arith.constant 64 : i32
    %add3A_438 = vector.broadcast %add3A_437 : i32 to vector<16xi32>
    %add3A_439 = arith.addi %iota3A_436, %add3A_438 : vector<16xi32>
    %get3A_440 = arith.constant 64 : index
    %get3A_441 = tpu.vector_load %arg6[%get3A_440] {strides = array<i32>} : memref<128xi32, #tpu.memory_space<vmem>>, vector<16xi32>,
    %convert_element_type3A_442 = arith.sitofp %get3A_441 : vector<16xi32> to vector<16xf32>
    tpu.vector_store_idx %arg7[%add3A_439, %broadcast_in_dim3A_409], %convert_element_type3A_442 : memref<128x128xf32, #tpu.memory_space<vmem>>[vector<16xi32>, vector<16xi32>], vector<16xf32>,
    %iota3A_443 = tpu.iota {dimensions = array<i32: 0>} : vector<16xi32>
    %add3A_444 = arith.constant 80 : i32
    %add3A_445 = vector.broadcast %add3A_444 : i32 to vector<16xi32>
    %add3A_446 = arith.addi %iota3A_443, %add3A_445 : vector<16xi32>
    %get3A_447 = arith.constant 80 : index
    %get3A_448 = tpu.vector_load %arg6[%get3A_447] {strides = array<i32>} : memref<128xi32, #tpu.memory_space<vmem>>, vector<16xi32>,
    %convert_element_type3A_449 = arith.sitofp %get3A_448 : vector<16xi32> to vector<16xf32>
    tpu.vector_store_idx %arg7[%add3A_446, %broadcast_in_dim3A_409], %convert_element_type3A_449 : memref<128x128xf32, #tpu.memory_space<vmem>>[vector<16xi32>, vector<16xi32>], vector<16xf32>,
    %iota3A_450 = tpu.iota {dimensions = array<i32: 0>} : vector<16xi32>
    %add3A_451 = arith.constant 96 : i32
    %add3A_452 = vector.broadcast %add3A_451 : i32 to vector<16xi32>
    %add3A_453 = arith.addi %iota3A_450, %add3A_452 : vector<16xi32>
    %get3A_454 = arith.constant 96 : index
    %get3A_455 = tpu.vector_load %arg6[%get3A_454] {strides = array<i32>} : memref<128xi32, #tpu.memory_space<vmem>>, vector<16xi32>,
    %convert_element_type3A_456 = arith.sitofp %get3A_455 : vector<16xi32> to vector<16xf32>
    tpu.vector_store_idx %arg7[%add3A_453, %broadcast_in_dim3A_409], %convert_element_type3A_456 : memref<128x128xf32, #tpu.memory_space<vmem>>[vector<16xi32>, vector<16xi32>], vector<16xf32>,
    %iota3A_457 = tpu.iota {dimensions = array<i32: 0>} : vector<16xi32>
    %add3A_458 = arith.constant 112 : i32
    %add3A_459 = vector.broadcast %add3A_458 : i32 to vector<16xi32>
    %add3A_460 = arith.addi %iota3A_457, %add3A_459 : vector<16xi32>
    %get3A_461 = arith.constant 112 : index
    %get3A_462 = tpu.vector_load %arg6[%get3A_461] {strides = array<i32>} : memref<128xi32, #tpu.memory_space<vmem>>, vector<16xi32>,
    %convert_element_type3A_463 = arith.sitofp %get3A_462 : vector<16xi32> to vector<16xf32>
    tpu.vector_store_idx %arg7[%add3A_460, %broadcast_in_dim3A_409], %convert_element_type3A_463 : memref<128x128xf32, #tpu.memory_space<vmem>>[vector<16xi32>, vector<16xi32>], vector<16xf32>,
    "tpu.region"() ({
      %run_scoped3A = tpu.sem_alloc : memref<!tpu.dma_semaphore, #tpu.memory_space<semaphore_mem>>
      %dma_start3A_464 = arith.constant 0 : i32
      %dma_start3A_465 = tpu.memref_slice %arg5[%mul3A_2, %dma_start3A_464] : memref<4096x128xf32, #tpu.memory_space<hbm>> -> memref<128x128xf32, #tpu.memory_space<hbm>>
      %dma_start3A_466 = arith.constant 0 : i32
      %dma_start3A_467 = tpu.memref_slice %arg5[%mul3A_2, %dma_start3A_466] : memref<4096x128xf32, #tpu.memory_space<hbm>> -> memref<128x128xf32, #tpu.memory_space<hbm>>
      tpu.enqueue_dma source(%arg7 : memref<128x128xf32, #tpu.memory_space<vmem>>) target(%dma_start3A_467 : memref<128x128xf32, #tpu.memory_space<hbm>>) target_semaphore(%run_scoped3A : memref<!tpu.dma_semaphore, #tpu.memory_space<semaphore_mem>>)
      %dma_wait3A_468 = arith.constant 0 : i32
      %dma_wait3A_469 = tpu.memref_slice %arg5[%mul3A_2, %dma_wait3A_468] : memref<4096x128xf32, #tpu.memory_space<hbm>> -> memref<128x128xf32, #tpu.memory_space<hbm>>
      %dma_wait3A_470 = arith.constant 0 : i32
      %dma_wait3A_471 = tpu.memref_slice %arg5[%mul3A_2, %dma_wait3A_470] : memref<4096x128xf32, #tpu.memory_space<hbm>> -> memref<128x128xf32, #tpu.memory_space<hbm>>
      tpu.wait_dma2 semaphore(%run_scoped3A : memref<!tpu.dma_semaphore, #tpu.memory_space<semaphore_mem>>) src(%arg7 : memref<128x128xf32, #tpu.memory_space<vmem>>) dst(%dma_wait3A_471 : memref<128x128xf32, #tpu.memory_space<hbm>>)
      tpu.yield
    }) : () -> ()
    return
  }
}

module attributes {stable_mosaic.version = 14 : i64} {
  func.func @_tc_body(%arg0: i32, %arg1: memref<1024x32xf32, #tpu.memory_space<vmem>>, %arg2: memref<3072x128xf32, #tpu.memory_space<vmem>>, %arg3: memref<768x128xf32, #tpu.memory_space<vmem>>, %arg4: memref<1024x128xf32, #tpu.memory_space<vmem>>, %arg5: memref<32x3072xf32, #tpu.memory_space<vmem>>, %arg6: memref<32x768xf32, #tpu.memory_space<vmem>>, %arg7: memref<4xf32, #tpu.memory_space<smem>>, %arg8: memref<3072x40xf32, #tpu.memory_space<vmem>>, %arg9: memref<1x3072xi32, #tpu.memory_space<vmem>>, %arg10: memref<2x3072xf32, #tpu.memory_space<vmem>>) attributes {dimension_semantics = [#tpu.dimension_semantics<arbitrary>], iteration_bounds = array<i64: 4>, scalar_prefetch = 0 : i64, scratch_operands = 3 : i64, tpu.core_type = #tpu.core_type<tc>, window_params = [{transform_indices = @transform_0, window_bounds = array<i64: 1024, 32>}, {pipeline_mode = #tpu.pipeline_mode<synchronous>, transform_indices = @transform_1, window_bounds = array<i64: 3072, 128>}, {transform_indices = @transform_2, window_bounds = array<i64: 768, 128>}, {transform_indices = @transform_3, window_bounds = array<i64: 1024, 128>}, {pipeline_mode = #tpu.pipeline_mode<synchronous>, transform_indices = @transform_4, window_bounds = array<i64: 32, 3072>}, {transform_indices = @transform_5, window_bounds = array<i64: 32, 768>}, {transform_indices = @transform_6, window_bounds = array<i64: 4>}]} {
    %broadcast_in_dim3A = arith.constant 1.000000e+00 : f32
    %broadcast_in_dim3A_0 = vector.broadcast %broadcast_in_dim3A : f32 to vector<1x32xf32>
    %eq3A = arith.constant 0 : i32
    %eq3A_1 = arith.cmpi eq, %arg0, %eq3A : i32
    %convert_element_type3A = arith.extui %eq3A_1 : i1 to i32
    %cond3A = arith.constant 0 : i32
    %cond3A_2 = arith.cmpi ne, %convert_element_type3A, %cond3A : i32
    scf.if %cond3A_2 {
      %get3A_499 = arith.constant 0 : index
      %get3A_500 = arith.constant 0 : index
      %get3A_501 = vector.load %arg2[%get3A_499, %get3A_500] : memref<3072x128xf32, #tpu.memory_space<vmem>>, vector<3072x32xf32>
      %mul3A_502 = arith.mulf %get3A_501, %get3A_501 : vector<3072x32xf32>
      %dot_general3A_503 = arith.constant dense<0.000000e+00> : vector<1x3072xf32>
      %dot_general3A_504 = tpu.matmul %broadcast_in_dim3A_0, %mul3A_502, %dot_general3A_503 {dimension_numbers = #tpu.dot_dimension_numbers<[1], [1], [0], [0], [0, 0, 1, 0], [], []>, transpose_lhs_hint = false} : vector<1x32xf32>, vector<3072x32xf32>, vector<1x3072xf32> -> vector<1x3072xf32>
      %get3A_505 = arith.constant 0 : index
      %get3A_506 = arith.constant 0 : index
      %get3A_507 = vector.load %arg5[%get3A_505, %get3A_506] : memref<32x3072xf32, #tpu.memory_space<vmem>>, vector<32x3072xf32>
      %reduce_max3A_508 = arith.constant dense<0xFF800000> : vector<3072xf32>
      %reduce_max3A_509 = vector.multi_reduction <maximumf>, %get3A_507, %reduce_max3A_508 [0] : vector<32x3072xf32> to vector<3072xf32>
      %broadcast_in_dim3A_510 = vector.shape_cast %reduce_max3A_509 : vector<3072xf32> to vector<1x3072xf32>
      %iota3A_511 = tpu.iota {dimensions = array<i32: 1>} : vector<1x3072xi32>
      %jit3A_512 = arith.constant 3 : i32
      %div3A_513 = vector.broadcast %jit3A_512 : i32 to vector<1x3072xi32>
      %div3A_514 = arith.divsi %iota3A_511, %div3A_513 : vector<1x3072xi32>
      %sign3A_515 = arith.constant 0 : i32
      %sign3A_516 = vector.broadcast %sign3A_515 : i32 to vector<1x3072xi32>
      %sign3A_517 = arith.cmpi sgt, %iota3A_511, %sign3A_516 : vector<1x3072xi32>
      %sign3A_518 = arith.extui %sign3A_517 : vector<1x3072xi1> to vector<1x3072xi32>
      %sign3A_519 = arith.constant 0 : i32
      %sign3A_520 = vector.broadcast %sign3A_519 : i32 to vector<1x3072xi32>
      %sign3A_521 = arith.cmpi slt, %iota3A_511, %sign3A_520 : vector<1x3072xi32>
      %sign3A_522 = arith.extui %sign3A_521 : vector<1x3072xi1> to vector<1x3072xi32>
      %sign3A_523 = arith.subi %sign3A_518, %sign3A_522 : vector<1x3072xi32>
      %sign3A_524 = arith.constant 0 : i32
      %sign3A_525 = arith.cmpi sgt, %jit3A_512, %sign3A_524 : i32
      %sign3A_526 = arith.extui %sign3A_525 : i1 to i32
      %sign3A_527 = arith.constant 0 : i32
      %sign3A_528 = arith.cmpi slt, %jit3A_512, %sign3A_527 : i32
      %sign3A_529 = arith.extui %sign3A_528 : i1 to i32
      %sign3A_530 = arith.subi %sign3A_526, %sign3A_529 : i32
      %ne3A_531 = vector.broadcast %sign3A_530 : i32 to vector<1x3072xi32>
      %ne3A_532 = arith.cmpi ne, %sign3A_523, %ne3A_531 : vector<1x3072xi32>
      %rem3A_533 = vector.broadcast %jit3A_512 : i32 to vector<1x3072xi32>
      %rem3A_534 = arith.remsi %iota3A_511, %rem3A_533 : vector<1x3072xi32>
      %ne3A_535 = arith.constant 0 : i32
      %ne3A_536 = vector.broadcast %ne3A_535 : i32 to vector<1x3072xi32>
      %ne3A_537 = arith.cmpi ne, %rem3A_534, %ne3A_536 : vector<1x3072xi32>
      %and3A_538 = arith.andi %ne3A_532, %ne3A_537 : vector<1x3072xi1>
      %sub3A_539 = arith.constant 1 : i32
      %sub3A_540 = vector.broadcast %sub3A_539 : i32 to vector<1x3072xi32>
      %sub3A_541 = arith.subi %div3A_514, %sub3A_540 : vector<1x3072xi32>
      %select_n3A_542 = arith.select %and3A_538, %sub3A_541, %div3A_514 : vector<1x3072xi1>, vector<1x3072xi32>
      %gt3A_543 = arith.constant 5.000000e-01 : f32
      %gt3A_544 = vector.broadcast %gt3A_543 : f32 to vector<1x3072xf32>
      %gt3A_545 = arith.cmpf ogt, %broadcast_in_dim3A_510, %gt3A_544 : vector<1x3072xf32>
      %jit3A_546 = arith.constant -1 : i32
      %broadcast_in_dim3A_547 = vector.broadcast %jit3A_546 : i32 to vector<1x3072xi32>
      %select_n3A_548 = arith.select %gt3A_545, %select_n3A_542, %broadcast_in_dim3A_547 : vector<1x3072xi1>, vector<1x3072xi32>
      %swap3A_549 = arith.constant 0 : index
      %swap3A_550 = arith.constant 0 : index
      %swap3A_551 = vector.load %arg9[%swap3A_549, %swap3A_550] : memref<1x3072xi32, #tpu.memory_space<vmem>>, vector<1x3072xi32>
      tpu.vector_store %arg9[%swap3A_549, %swap3A_550], %select_n3A_548 {strides = array<i32>} : memref<1x3072xi32, #tpu.memory_space<vmem>>, vector<1x3072xi32>,
      %lt3A = arith.constant 3000 : i32
      %lt3A_552 = vector.broadcast %lt3A : i32 to vector<1x3072xi32>
      %lt3A_553 = arith.cmpi slt, %iota3A_511, %lt3A_552 : vector<1x3072xi32>
      %neg3A = arith.constant 0.000000e+00 : f32
      %neg3A_554 = vector.broadcast %neg3A : f32 to vector<1x3072xf32>
      %neg3A_555 = arith.subf %neg3A_554, %dot_general3A_504 : vector<1x3072xf32>
      %jit3A_556 = arith.constant -1.000000e+30 : f32
      %broadcast_in_dim3A_557 = vector.broadcast %jit3A_556 : f32 to vector<1x3072xf32>
      %select_n3A_558 = arith.select %lt3A_553, %neg3A_555, %broadcast_in_dim3A_557 : vector<1x3072xi1>, vector<1x3072xf32>
      %broadcast_in_dim3A_559 = arith.constant 1.000000e+00 : f32
      %broadcast_in_dim3A_560 = vector.broadcast %broadcast_in_dim3A_559 : f32 to vector<3072x1xf32>
      %reshape3A = vector.shape_cast %select_n3A_558 : vector<1x3072xf32> to vector<3072x1xf32>
      %broadcast_in_dim3A_561 = arith.constant 0.000000e+00 : f32
      %broadcast_in_dim3A_562 = vector.broadcast %broadcast_in_dim3A_561 : f32 to vector<3072x6xf32>
      %concatenate3A_563 = tpu.concatenate %get3A_501, %broadcast_in_dim3A_560, %reshape3A, %broadcast_in_dim3A_562 in 1 : vector<3072x32xf32>, vector<3072x1xf32>, vector<3072x1xf32>, vector<3072x6xf32> -> vector<3072x40xf32>
      %swap3A_564 = arith.constant 0 : index
      %swap3A_565 = arith.constant 0 : index
      %swap3A_566 = vector.load %arg8[%swap3A_564, %swap3A_565] : memref<3072x40xf32, #tpu.memory_space<vmem>>, vector<3072x40xf32>
      tpu.vector_store %arg8[%swap3A_564, %swap3A_565], %concatenate3A_563 {strides = array<i32>} : memref<3072x40xf32, #tpu.memory_space<vmem>>, vector<3072x40xf32>,
      %swap3A_567 = arith.constant 0.000000e+00 : f32
      %swap3A_568 = arith.constant 0 : index
      %swap3A_569 = memref.load %arg7[%swap3A_568] : memref<4xf32, #tpu.memory_space<smem>>
      memref.store %swap3A_567, %arg7[%swap3A_568] : memref<4xf32, #tpu.memory_space<smem>>
      %swap3A_570 = arith.constant 0.000000e+00 : f32
      %swap3A_571 = arith.constant 1 : index
      %swap3A_572 = memref.load %arg7[%swap3A_571] : memref<4xf32, #tpu.memory_space<smem>>
      memref.store %swap3A_570, %arg7[%swap3A_571] : memref<4xf32, #tpu.memory_space<smem>>
      %swap3A_573 = arith.constant 0.000000e+00 : f32
      %swap3A_574 = arith.constant 2 : index
      %swap3A_575 = memref.load %arg7[%swap3A_574] : memref<4xf32, #tpu.memory_space<smem>>
      memref.store %swap3A_573, %arg7[%swap3A_574] : memref<4xf32, #tpu.memory_space<smem>>
      %swap3A_576 = arith.constant 0.000000e+00 : f32
      %swap3A_577 = arith.constant 3 : index
      %swap3A_578 = memref.load %arg7[%swap3A_577] : memref<4xf32, #tpu.memory_space<smem>>
      memref.store %swap3A_576, %arg7[%swap3A_577] : memref<4xf32, #tpu.memory_space<smem>>
    } else {
    }
    %get3A = arith.constant 0 : index
    %get3A_3 = arith.constant 0 : index
    %get3A_4 = vector.load %arg8[%get3A, %get3A_3] : memref<3072x40xf32, #tpu.memory_space<vmem>>, vector<3072x40xf32>
    %get3A_5 = arith.constant 0 : index
    %get3A_6 = arith.constant 0 : index
    %get3A_7 = vector.load %arg9[%get3A_5, %get3A_6] : memref<1x3072xi32, #tpu.memory_space<vmem>>, vector<1x3072xi32>
    %get3A_8 = arith.constant 0 : index
    %get3A_9 = arith.constant 0 : index
    %get3A_10 = vector.load %arg1[%get3A_8, %get3A_9] : memref<1024x32xf32, #tpu.memory_space<vmem>>, vector<1024x32xf32>
    %get3A_11 = arith.constant 0 : index
    %get3A_12 = arith.constant 0 : index
    %get3A_13 = vector.load %arg4[%get3A_11, %get3A_12] : memref<1024x128xf32, #tpu.memory_space<vmem>>, vector<1024x128xf32>
    %slice3A = vector.extract_strided_slice %get3A_13 {offsets = [0, 0], sizes = [1024, 32], strides = [1, 1]} : vector<1024x128xf32> to vector<1024x32xf32>
    %slice3A_14 = vector.extract_strided_slice %get3A_13 {offsets = [0, 32], sizes = [1024, 1], strides = [1, 1]} : vector<1024x128xf32> to vector<1024x1xf32>
    %convert_element_type3A_15 = arith.fptosi %slice3A_14 : vector<1024x1xf32> to vector<1024x1xi32>
    %sub3A = arith.subf %get3A_10, %slice3A : vector<1024x32xf32>
    %mul3A = arith.mulf %sub3A, %sub3A : vector<1024x32xf32>
    %reduce_sum3A = arith.constant dense<0.000000e+00> : vector<1024xf32>
    %reduce_sum3A_16 = vector.multi_reduction <add>, %mul3A, %reduce_sum3A [1] : vector<1024x32xf32> to vector<1024xf32>
    %broadcast_in_dim3A_17 = vector.shape_cast %reduce_sum3A_16 : vector<1024xf32> to vector<1024x1xf32>
    %mul3A_18 = arith.mulf %get3A_10, %get3A_10 : vector<1024x32xf32>
    %reduce_sum3A_19 = arith.constant dense<0.000000e+00> : vector<1024xf32>
    %reduce_sum3A_20 = vector.multi_reduction <add>, %mul3A_18, %reduce_sum3A_19 [1] : vector<1024x32xf32> to vector<1024xf32>
    %broadcast_in_dim3A_21 = vector.shape_cast %reduce_sum3A_20 : vector<1024xf32> to vector<1024x1xf32>
    %add3A = arith.constant 1.000000e+00 : f32
    %add3A_22 = vector.broadcast %add3A : f32 to vector<1024x1xf32>
    %add3A_23 = arith.addf %add3A_22, %broadcast_in_dim3A_17 : vector<1024x1xf32>
    %sub3A_24 = arith.subf %add3A_23, %broadcast_in_dim3A_21 : vector<1024x1xf32>
    %add3A_25 = arith.addf %get3A_10, %get3A_10 : vector<1024x32xf32>
    %broadcast_in_dim3A_26 = arith.constant 1.000000e+00 : f32
    %broadcast_in_dim3A_27 = vector.broadcast %broadcast_in_dim3A_26 : f32 to vector<1024x1xf32>
    %broadcast_in_dim3A_28 = arith.constant 0.000000e+00 : f32
    %broadcast_in_dim3A_29 = vector.broadcast %broadcast_in_dim3A_28 : f32 to vector<1024x6xf32>
    %concatenate3A = tpu.concatenate %add3A_25, %sub3A_24, %broadcast_in_dim3A_27, %broadcast_in_dim3A_29 in 1 : vector<1024x32xf32>, vector<1024x1xf32>, vector<1024x1xf32>, vector<1024x6xf32> -> vector<1024x40xf32>
    %dot_general3A = arith.constant dense<0.000000e+00> : vector<1024x3072xf32>
    %dot_general3A_30 = tpu.matmul %concatenate3A, %get3A_4, %dot_general3A {dimension_numbers = #tpu.dot_dimension_numbers<[1], [1], [0], [0], [0, 0, 1, 0], [], []>, transpose_lhs_hint = false} : vector<1024x40xf32>, vector<3072x40xf32>, vector<1024x3072xf32> -> vector<1024x3072xf32>
    %jit3A = arith.constant 3 : i32
    %div3A = vector.broadcast %jit3A : i32 to vector<1024x1xi32>
    %div3A_31 = arith.divsi %convert_element_type3A_15, %div3A : vector<1024x1xi32>
    %sign3A = arith.constant 0 : i32
    %sign3A_32 = vector.broadcast %sign3A : i32 to vector<1024x1xi32>
    %sign3A_33 = arith.cmpi sgt, %convert_element_type3A_15, %sign3A_32 : vector<1024x1xi32>
    %sign3A_34 = arith.extui %sign3A_33 : vector<1024x1xi1> to vector<1024x1xi32>
    %sign3A_35 = arith.constant 0 : i32
    %sign3A_36 = vector.broadcast %sign3A_35 : i32 to vector<1024x1xi32>
    %sign3A_37 = arith.cmpi slt, %convert_element_type3A_15, %sign3A_36 : vector<1024x1xi32>
    %sign3A_38 = arith.extui %sign3A_37 : vector<1024x1xi1> to vector<1024x1xi32>
    %sign3A_39 = arith.subi %sign3A_34, %sign3A_38 : vector<1024x1xi32>
    %sign3A_40 = arith.constant 0 : i32
    %sign3A_41 = arith.cmpi sgt, %jit3A, %sign3A_40 : i32
    %sign3A_42 = arith.extui %sign3A_41 : i1 to i32
    %sign3A_43 = arith.constant 0 : i32
    %sign3A_44 = arith.cmpi slt, %jit3A, %sign3A_43 : i32
    %sign3A_45 = arith.extui %sign3A_44 : i1 to i32
    %sign3A_46 = arith.subi %sign3A_42, %sign3A_45 : i32
    %ne3A = vector.broadcast %sign3A_46 : i32 to vector<1024x1xi32>
    %ne3A_47 = arith.cmpi ne, %sign3A_39, %ne3A : vector<1024x1xi32>
    %rem3A = vector.broadcast %jit3A : i32 to vector<1024x1xi32>
    %rem3A_48 = arith.remsi %convert_element_type3A_15, %rem3A : vector<1024x1xi32>
    %ne3A_49 = arith.constant 0 : i32
    %ne3A_50 = vector.broadcast %ne3A_49 : i32 to vector<1024x1xi32>
    %ne3A_51 = arith.cmpi ne, %rem3A_48, %ne3A_50 : vector<1024x1xi32>
    %and3A = arith.andi %ne3A_47, %ne3A_51 : vector<1024x1xi1>
    %sub3A_52 = arith.constant 1 : i32
    %sub3A_53 = vector.broadcast %sub3A_52 : i32 to vector<1024x1xi32>
    %sub3A_54 = arith.subi %div3A_31, %sub3A_53 : vector<1024x1xi32>
    %select_n3A = arith.select %and3A, %sub3A_54, %div3A_31 : vector<1024x1xi1>, vector<1024x1xi32>
    %get3A_55 = arith.constant 0 : index
    %get3A_56 = memref.load %arg7[%get3A_55] : memref<4xf32, #tpu.memory_space<smem>>
    %reduce_sum3A_57 = vector.shape_cast %broadcast_in_dim3A_17 : vector<1024x1xf32> to vector<1x1024x1xf32>
    %reduce_sum3A_58 = arith.constant dense<0.000000e+00> : vector<1xf32>
    %reduce_sum3A_59 = vector.multi_reduction <add>, %reduce_sum3A_57, %reduce_sum3A_58 [1, 2] : vector<1x1024x1xf32> to vector<1xf32>
    %reduce_sum3A_60 = vector.shape_cast %reduce_sum3A_59 : vector<1xf32> to vector<1x1x1xf32>
    %reduce_sum3A_61 = vector.extract %reduce_sum3A_60[0, 0, 0] : f32 from vector<1x1x1xf32>
    %add3A_62 = arith.addf %get3A_56, %reduce_sum3A_61 : f32
    %swap3A = arith.constant 0 : index
    %swap3A_63 = memref.load %arg7[%swap3A] : memref<4xf32, #tpu.memory_space<smem>>
    memref.store %add3A_62, %arg7[%swap3A] : memref<4xf32, #tpu.memory_space<smem>>
    %eq3A_64 = vector.broadcast %get3A_7 : vector<1x3072xi32> to vector<1024x3072xi32>
    %eq3A_65 = vector.broadcast %select_n3A : vector<1024x1xi32> to vector<1024x3072xi32>
    %eq3A_66 = arith.cmpi eq, %eq3A_64, %eq3A_65 : vector<1024x3072xi32>
    %max3A = arith.constant 0.000000e+00 : f32
    %max3A_67 = vector.broadcast %max3A : f32 to vector<1024x3072xf32>
    %max3A_68 = arith.maximumf %dot_general3A_30, %max3A_67 : vector<1024x3072xf32>
    %jit3A_69 = arith.constant 0.000000e+00 : f32
    %broadcast_in_dim3A_70 = vector.broadcast %jit3A_69 : f32 to vector<1024x3072xf32>
    %select_n3A_71 = arith.select %eq3A_66, %broadcast_in_dim3A_70, %max3A_68 : vector<1024x3072xi1>, vector<1024x3072xf32>
    %reduce_sum3A_72 = arith.constant dense<0.000000e+00> : vector<3072xf32>
    %reduce_sum3A_73 = vector.multi_reduction <add>, %select_n3A_71, %reduce_sum3A_72 [0] : vector<1024x3072xf32> to vector<3072xf32>
    %broadcast_in_dim3A_74 = vector.shape_cast %reduce_sum3A_73 : vector<3072xf32> to vector<1x3072xf32>
    %eq3A_75 = arith.constant 0 : i32
    %eq3A_76 = arith.cmpi eq, %arg0, %eq3A_75 : i32
    %convert_element_type3A_77 = arith.extui %eq3A_76 : i1 to i32
    %cond3A_78 = arith.constant 0 : i32
    %cond3A_79 = arith.cmpi ne, %convert_element_type3A_77, %cond3A_78 : i32
    scf.if %cond3A_79 {
      %swap3A_499 = arith.constant 0 : index
      %swap3A_500 = arith.constant 0 : index
      %swap3A_501 = vector.load %arg10[%swap3A_499, %swap3A_500] : memref<2x3072xf32, #tpu.memory_space<vmem>>, vector<1x3072xf32>
      tpu.vector_store %arg10[%swap3A_499, %swap3A_500], %broadcast_in_dim3A_74 {strides = array<i32>} : memref<2x3072xf32, #tpu.memory_space<vmem>>, vector<1x3072xf32>,
    } else {
    }
    %gt3A = arith.constant 0 : i32
    %gt3A_80 = arith.cmpi sgt, %arg0, %gt3A : i32
    %convert_element_type3A_81 = arith.extui %gt3A_80 : i1 to i32
    %cond3A_82 = arith.constant 0 : i32
    %cond3A_83 = arith.cmpi ne, %convert_element_type3A_81, %cond3A_82 : i32
    scf.if %cond3A_83 {
      %get3A_499 = arith.constant 0 : index
      %get3A_500 = arith.constant 0 : index
      %get3A_501 = vector.load %arg10[%get3A_499, %get3A_500] : memref<2x3072xf32, #tpu.memory_space<vmem>>, vector<1x3072xf32>
      %add3A_502 = arith.addf %get3A_501, %broadcast_in_dim3A_74 : vector<1x3072xf32>
      %swap3A_503 = arith.constant 0 : index
      %swap3A_504 = arith.constant 0 : index
      %swap3A_505 = vector.load %arg10[%swap3A_503, %swap3A_504] : memref<2x3072xf32, #tpu.memory_space<vmem>>, vector<1x3072xf32>
      tpu.vector_store %arg10[%swap3A_503, %swap3A_504], %add3A_502 {strides = array<i32>} : memref<2x3072xf32, #tpu.memory_space<vmem>>, vector<1x3072xf32>,
    } else {
    }
    %get3A_84 = arith.constant 0 : index
    %get3A_85 = arith.constant 0 : index
    %get3A_86 = vector.load %arg3[%get3A_84, %get3A_85] : memref<768x128xf32, #tpu.memory_space<vmem>>, vector<768x32xf32>
    %slice3A_87 = vector.extract_strided_slice %get3A_86 {offsets = [0, 0], sizes = [384, 32], strides = [1, 1]} : vector<768x32xf32> to vector<384x32xf32>
    %mul3A_88 = arith.mulf %slice3A_87, %slice3A_87 : vector<384x32xf32>
    %reduce_sum3A_89 = arith.constant dense<0.000000e+00> : vector<384xf32>
    %reduce_sum3A_90 = vector.multi_reduction <add>, %mul3A_88, %reduce_sum3A_89 [1] : vector<384x32xf32> to vector<384xf32>
    %broadcast_in_dim3A_91 = vector.shape_cast %reduce_sum3A_90 : vector<384xf32> to vector<384x1xf32>
    %mul3A_92 = arith.constant 768 : i32
    %mul3A_93 = arith.muli %arg0, %mul3A_92 : i32
    %add3A_94 = arith.constant 0 : i32
    %add3A_95 = arith.addi %mul3A_93, %add3A_94 : i32
    %iota3A = tpu.iota {dimensions = array<i32: 0>} : vector<384x1xi32>
    %add3A_96 = vector.broadcast %add3A_95 : i32 to vector<384x1xi32>
    %add3A_97 = arith.addi %iota3A, %add3A_96 : vector<384x1xi32>
    %jit3A_98 = arith.constant 3 : i32
    %div3A_99 = vector.broadcast %jit3A_98 : i32 to vector<384x1xi32>
    %div3A_100 = arith.divsi %add3A_97, %div3A_99 : vector<384x1xi32>
    %sign3A_101 = arith.constant 0 : i32
    %sign3A_102 = vector.broadcast %sign3A_101 : i32 to vector<384x1xi32>
    %sign3A_103 = arith.cmpi sgt, %add3A_97, %sign3A_102 : vector<384x1xi32>
    %sign3A_104 = arith.extui %sign3A_103 : vector<384x1xi1> to vector<384x1xi32>
    %sign3A_105 = arith.constant 0 : i32
    %sign3A_106 = vector.broadcast %sign3A_105 : i32 to vector<384x1xi32>
    %sign3A_107 = arith.cmpi slt, %add3A_97, %sign3A_106 : vector<384x1xi32>
    %sign3A_108 = arith.extui %sign3A_107 : vector<384x1xi1> to vector<384x1xi32>
    %sign3A_109 = arith.subi %sign3A_104, %sign3A_108 : vector<384x1xi32>
    %sign3A_110 = arith.constant 0 : i32
    %sign3A_111 = arith.cmpi sgt, %jit3A_98, %sign3A_110 : i32
    %sign3A_112 = arith.extui %sign3A_111 : i1 to i32
    %sign3A_113 = arith.constant 0 : i32
    %sign3A_114 = arith.cmpi slt, %jit3A_98, %sign3A_113 : i32
    %sign3A_115 = arith.extui %sign3A_114 : i1 to i32
    %sign3A_116 = arith.subi %sign3A_112, %sign3A_115 : i32
    %ne3A_117 = vector.broadcast %sign3A_116 : i32 to vector<384x1xi32>
    %ne3A_118 = arith.cmpi ne, %sign3A_109, %ne3A_117 : vector<384x1xi32>
    %rem3A_119 = vector.broadcast %jit3A_98 : i32 to vector<384x1xi32>
    %rem3A_120 = arith.remsi %add3A_97, %rem3A_119 : vector<384x1xi32>
    %ne3A_121 = arith.constant 0 : i32
    %ne3A_122 = vector.broadcast %ne3A_121 : i32 to vector<384x1xi32>
    %ne3A_123 = arith.cmpi ne, %rem3A_120, %ne3A_122 : vector<384x1xi32>
    %and3A_124 = arith.andi %ne3A_118, %ne3A_123 : vector<384x1xi1>
    %sub3A_125 = arith.constant 1 : i32
    %sub3A_126 = vector.broadcast %sub3A_125 : i32 to vector<384x1xi32>
    %sub3A_127 = arith.subi %div3A_100, %sub3A_126 : vector<384x1xi32>
    %select_n3A_128 = arith.select %and3A_124, %sub3A_127, %div3A_100 : vector<384x1xi1>, vector<384x1xi32>
    %iota3A_129 = tpu.iota {dimensions = array<i32: 1>} : vector<1x384xi32>
    %add3A_130 = vector.broadcast %add3A_95 : i32 to vector<1x384xi32>
    %add3A_131 = arith.addi %iota3A_129, %add3A_130 : vector<1x384xi32>
    %jit3A_132 = arith.constant 3 : i32
    %div3A_133 = vector.broadcast %jit3A_132 : i32 to vector<1x384xi32>
    %div3A_134 = arith.divsi %add3A_131, %div3A_133 : vector<1x384xi32>
    %sign3A_135 = arith.constant 0 : i32
    %sign3A_136 = vector.broadcast %sign3A_135 : i32 to vector<1x384xi32>
    %sign3A_137 = arith.cmpi sgt, %add3A_131, %sign3A_136 : vector<1x384xi32>
    %sign3A_138 = arith.extui %sign3A_137 : vector<1x384xi1> to vector<1x384xi32>
    %sign3A_139 = arith.constant 0 : i32
    %sign3A_140 = vector.broadcast %sign3A_139 : i32 to vector<1x384xi32>
    %sign3A_141 = arith.cmpi slt, %add3A_131, %sign3A_140 : vector<1x384xi32>
    %sign3A_142 = arith.extui %sign3A_141 : vector<1x384xi1> to vector<1x384xi32>
    %sign3A_143 = arith.subi %sign3A_138, %sign3A_142 : vector<1x384xi32>
    %sign3A_144 = arith.constant 0 : i32
    %sign3A_145 = arith.cmpi sgt, %jit3A_132, %sign3A_144 : i32
    %sign3A_146 = arith.extui %sign3A_145 : i1 to i32
    %sign3A_147 = arith.constant 0 : i32
    %sign3A_148 = arith.cmpi slt, %jit3A_132, %sign3A_147 : i32
    %sign3A_149 = arith.extui %sign3A_148 : i1 to i32
    %sign3A_150 = arith.subi %sign3A_146, %sign3A_149 : i32
    %ne3A_151 = vector.broadcast %sign3A_150 : i32 to vector<1x384xi32>
    %ne3A_152 = arith.cmpi ne, %sign3A_143, %ne3A_151 : vector<1x384xi32>
    %rem3A_153 = vector.broadcast %jit3A_132 : i32 to vector<1x384xi32>
    %rem3A_154 = arith.remsi %add3A_131, %rem3A_153 : vector<1x384xi32>
    %ne3A_155 = arith.constant 0 : i32
    %ne3A_156 = vector.broadcast %ne3A_155 : i32 to vector<1x384xi32>
    %ne3A_157 = arith.cmpi ne, %rem3A_154, %ne3A_156 : vector<1x384xi32>
    %and3A_158 = arith.andi %ne3A_152, %ne3A_157 : vector<1x384xi1>
    %sub3A_159 = arith.constant 1 : i32
    %sub3A_160 = vector.broadcast %sub3A_159 : i32 to vector<1x384xi32>
    %sub3A_161 = arith.subi %div3A_134, %sub3A_160 : vector<1x384xi32>
    %select_n3A_162 = arith.select %and3A_158, %sub3A_161, %div3A_134 : vector<1x384xi1>, vector<1x384xi32>
    %get3A_163 = arith.constant 0 : index
    %get3A_164 = arith.constant 0 : index
    %get3A_165 = vector.load %arg6[%get3A_163, %get3A_164] : memref<32x768xf32, #tpu.memory_space<vmem>>, vector<32x384xf32>
    %reduce_max3A = arith.constant dense<0xFF800000> : vector<384xf32>
    %reduce_max3A_166 = vector.multi_reduction <maximumf>, %get3A_165, %reduce_max3A [0] : vector<32x384xf32> to vector<384xf32>
    %broadcast_in_dim3A_167 = vector.shape_cast %reduce_max3A_166 : vector<384xf32> to vector<1x384xf32>
    %mul3A_168 = arith.mulf %slice3A_87, %slice3A_87 : vector<384x32xf32>
    %dot_general3A_169 = arith.constant dense<0.000000e+00> : vector<1x384xf32>
    %dot_general3A_170 = tpu.matmul %broadcast_in_dim3A_0, %mul3A_168, %dot_general3A_169 {dimension_numbers = #tpu.dot_dimension_numbers<[1], [1], [0], [0], [0, 0, 1, 0], [], []>, transpose_lhs_hint = false} : vector<1x32xf32>, vector<384x32xf32>, vector<1x384xf32> -> vector<1x384xf32>
    %dot_general3A_171 = arith.constant dense<0.000000e+00> : vector<384x384xf32>
    %dot_general3A_172 = tpu.matmul %slice3A_87, %slice3A_87, %dot_general3A_171 {dimension_numbers = #tpu.dot_dimension_numbers<[1], [1], [0], [0], [0, 0, 1, 0], [], []>, transpose_lhs_hint = false} : vector<384x32xf32>, vector<384x32xf32>, vector<384x384xf32> -> vector<384x384xf32>
    %add3A_173 = vector.broadcast %broadcast_in_dim3A_91 : vector<384x1xf32> to vector<384x384xf32>
    %add3A_174 = vector.broadcast %dot_general3A_170 : vector<1x384xf32> to vector<384x384xf32>
    %add3A_175 = arith.addf %add3A_173, %add3A_174 : vector<384x384xf32>
    %mul3A_176 = arith.constant 2.000000e+00 : f32
    %mul3A_177 = vector.broadcast %mul3A_176 : f32 to vector<384x384xf32>
    %mul3A_178 = arith.mulf %mul3A_177, %dot_general3A_172 : vector<384x384xf32>
    %sub3A_179 = arith.subf %add3A_175, %mul3A_178 : vector<384x384xf32>
    %eq3A_180 = vector.broadcast %select_n3A_128 : vector<384x1xi32> to vector<384x384xi32>
    %eq3A_181 = vector.broadcast %select_n3A_162 : vector<1x384xi32> to vector<384x384xi32>
    %eq3A_182 = arith.cmpi eq, %eq3A_180, %eq3A_181 : vector<384x384xi32>
    %eq3A_183 = vector.broadcast %add3A_97 : vector<384x1xi32> to vector<384x384xi32>
    %eq3A_184 = vector.broadcast %add3A_131 : vector<1x384xi32> to vector<384x384xi32>
    %eq3A_185 = arith.cmpi eq, %eq3A_183, %eq3A_184 : vector<384x384xi32>
    %broadcast_in_dim3A_186 = vector.shape_cast %broadcast_in_dim3A_167 : vector<1x384xf32> to vector<1x384xf32>
    %broadcast_in_dim3A_187 = vector.broadcast %broadcast_in_dim3A_186 : vector<1x384xf32> to vector<384x384xf32>
    %jit3A_188 = arith.constant 0.000000e+00 : f32
    %broadcast_in_dim3A_189 = vector.broadcast %jit3A_188 : f32 to vector<384x384xf32>
    %select_n3A_190 = arith.select %eq3A_185, %broadcast_in_dim3A_187, %broadcast_in_dim3A_189 : vector<384x384xi1>, vector<384x384xf32>
    %reduce_max3A_191 = arith.constant dense<0xFF800000> : vector<384xf32>
    %reduce_max3A_192 = vector.multi_reduction <maximumf>, %select_n3A_190, %reduce_max3A_191 [1] : vector<384x384xf32> to vector<384xf32>
    %broadcast_in_dim3A_193 = vector.shape_cast %reduce_max3A_192 : vector<384xf32> to vector<384x1xf32>
    %gt3A_194 = arith.constant 5.000000e-01 : f32
    %gt3A_195 = vector.broadcast %gt3A_194 : f32 to vector<384x1xf32>
    %gt3A_196 = arith.cmpf ogt, %broadcast_in_dim3A_193, %gt3A_195 : vector<384x1xf32>
    %and3A_197 = vector.broadcast %gt3A_196 : vector<384x1xi1> to vector<384x384xi1>
    %and3A_198 = arith.andi %eq3A_182, %and3A_197 : vector<384x384xi1>
    %jit3A_199 = arith.constant -1.000000e+30 : f32
    %broadcast_in_dim3A_200 = vector.broadcast %jit3A_199 : f32 to vector<384x384xf32>
    %select_n3A_201 = arith.select %and3A_198, %sub3A_179, %broadcast_in_dim3A_200 : vector<384x384xi1>, vector<384x384xf32>
    %reduce_max3A_202 = arith.constant dense<0xFF800000> : vector<384xf32>
    %reduce_max3A_203 = vector.multi_reduction <maximumf>, %select_n3A_201, %reduce_max3A_202 [0] : vector<384x384xf32> to vector<384xf32>
    %broadcast_in_dim3A_204 = vector.shape_cast %reduce_max3A_203 : vector<384xf32> to vector<1x384xf32>
    %broadcast_in_dim3A_205 = vector.shape_cast %broadcast_in_dim3A_204 : vector<1x384xf32> to vector<1x384xf32>
    %broadcast_in_dim3A_206 = vector.broadcast %broadcast_in_dim3A_205 : vector<1x384xf32> to vector<384x384xf32>
    %gt3A_207 = arith.constant 5.000000e-01 : f32
    %gt3A_208 = vector.broadcast %gt3A_207 : f32 to vector<384x384xf32>
    %gt3A_209 = arith.cmpf ogt, %broadcast_in_dim3A_187, %gt3A_208 : vector<384x384xf32>
    %and3A_210 = arith.andi %eq3A_182, %gt3A_209 : vector<384x384xi1>
    %jit3A_211 = arith.constant -1.000000e+30 : f32
    %broadcast_in_dim3A_212 = vector.broadcast %jit3A_211 : f32 to vector<384x384xf32>
    %select_n3A_213 = arith.select %and3A_210, %broadcast_in_dim3A_206, %broadcast_in_dim3A_212 : vector<384x384xi1>, vector<384x384xf32>
    %reduce_max3A_214 = arith.constant dense<0xFF800000> : vector<384xf32>
    %reduce_max3A_215 = vector.multi_reduction <maximumf>, %select_n3A_213, %reduce_max3A_214 [1] : vector<384x384xf32> to vector<384xf32>
    %broadcast_in_dim3A_216 = vector.shape_cast %reduce_max3A_215 : vector<384xf32> to vector<384x1xf32>
    %jit3A_217 = arith.constant 0.000000e+00 : f32
    %broadcast_in_dim3A_218 = vector.broadcast %jit3A_217 : f32 to vector<384x384xf32>
    %select_n3A_219 = arith.select %eq3A_182, %broadcast_in_dim3A_187, %broadcast_in_dim3A_218 : vector<384x384xi1>, vector<384x384xf32>
    %reduce_sum3A_220 = arith.constant dense<0.000000e+00> : vector<384xf32>
    %reduce_sum3A_221 = vector.multi_reduction <add>, %select_n3A_219, %reduce_sum3A_220 [1] : vector<384x384xf32> to vector<384xf32>
    %broadcast_in_dim3A_222 = vector.shape_cast %reduce_sum3A_221 : vector<384xf32> to vector<384x1xf32>
    %gt3A_223 = arith.constant 1.500000e+00 : f32
    %gt3A_224 = vector.broadcast %gt3A_223 : f32 to vector<384x1xf32>
    %gt3A_225 = arith.cmpf ogt, %broadcast_in_dim3A_222, %gt3A_224 : vector<384x1xf32>
    %convert_element_type3A_226 = arith.extui %gt3A_225 : vector<384x1xi1> to vector<384x1xi32>
    %convert_element_type3A_227 = arith.sitofp %convert_element_type3A_226 : vector<384x1xi32> to vector<384x1xf32>
    %mul3A_228 = arith.mulf %convert_element_type3A_227, %broadcast_in_dim3A_193 : vector<384x1xf32>
    %gt3A_229 = arith.constant 5.000000e-01 : f32
    %gt3A_230 = vector.broadcast %gt3A_229 : f32 to vector<384x1xf32>
    %gt3A_231 = arith.cmpf ogt, %mul3A_228, %gt3A_230 : vector<384x1xf32>
    %add3A_232 = arith.constant 1.000000e+00 : f32
    %add3A_233 = vector.broadcast %add3A_232 : f32 to vector<384x1xf32>
    %add3A_234 = arith.addf %add3A_233, %broadcast_in_dim3A_216 : vector<384x1xf32>
    %sub3A_235 = arith.subf %add3A_234, %broadcast_in_dim3A_91 : vector<384x1xf32>
    %jit3A_236 = arith.constant -1.000000e+30 : f32
    %broadcast_in_dim3A_237 = vector.broadcast %jit3A_236 : f32 to vector<384x1xf32>
    %select_n3A_238 = arith.select %gt3A_231, %sub3A_235, %broadcast_in_dim3A_237 : vector<384x1xi1>, vector<384x1xf32>
    %add3A_239 = arith.addf %slice3A_87, %slice3A_87 : vector<384x32xf32>
    %broadcast_in_dim3A_240 = arith.constant 1.000000e+00 : f32
    %broadcast_in_dim3A_241 = vector.broadcast %broadcast_in_dim3A_240 : f32 to vector<384x1xf32>
    %broadcast_in_dim3A_242 = arith.constant 0.000000e+00 : f32
    %broadcast_in_dim3A_243 = vector.broadcast %broadcast_in_dim3A_242 : f32 to vector<384x6xf32>
    %concatenate3A_244 = tpu.concatenate %add3A_239, %select_n3A_238, %broadcast_in_dim3A_241, %broadcast_in_dim3A_243 in 1 : vector<384x32xf32>, vector<384x1xf32>, vector<384x1xf32>, vector<384x6xf32> -> vector<384x40xf32>
    %dot_general3A_245 = arith.constant dense<0.000000e+00> : vector<384x3072xf32>
    %dot_general3A_246 = tpu.matmul %concatenate3A_244, %get3A_4, %dot_general3A_245 {dimension_numbers = #tpu.dot_dimension_numbers<[1], [1], [0], [0], [0, 0, 1, 0], [], []>, transpose_lhs_hint = false} : vector<384x40xf32>, vector<3072x40xf32>, vector<384x3072xf32> -> vector<384x3072xf32>
    %mul3A_247 = arith.constant 2.000000e+00 : f32
    %mul3A_248 = vector.broadcast %mul3A_247 : f32 to vector<384x384xf32>
    %mul3A_249 = arith.mulf %mul3A_248, %dot_general3A_172 : vector<384x384xf32>
    %add3A_250 = vector.broadcast %select_n3A_238 : vector<384x1xf32> to vector<384x384xf32>
    %add3A_251 = arith.addf %mul3A_249, %add3A_250 : vector<384x384xf32>
    %sub3A_252 = vector.broadcast %dot_general3A_170 : vector<1x384xf32> to vector<384x384xf32>
    %sub3A_253 = arith.subf %add3A_251, %sub3A_252 : vector<384x384xf32>
    %gt3A_254 = arith.constant 5.000000e-01 : f32
    %gt3A_255 = vector.broadcast %gt3A_254 : f32 to vector<1x384xf32>
    %gt3A_256 = arith.cmpf ogt, %broadcast_in_dim3A_167, %gt3A_255 : vector<1x384xf32>
    %jit3A_257 = arith.constant -1 : i32
    %broadcast_in_dim3A_258 = vector.broadcast %jit3A_257 : i32 to vector<1x384xi32>
    %select_n3A_259 = arith.select %gt3A_256, %select_n3A_162, %broadcast_in_dim3A_258 : vector<1x384xi1>, vector<1x384xi32>
    %eq3A_260 = vector.broadcast %select_n3A_259 : vector<1x384xi32> to vector<384x384xi32>
    %eq3A_261 = vector.broadcast %select_n3A_128 : vector<384x1xi32> to vector<384x384xi32>
    %eq3A_262 = arith.cmpi eq, %eq3A_260, %eq3A_261 : vector<384x384xi32>
    %max3A_263 = arith.constant 0.000000e+00 : f32
    %max3A_264 = vector.broadcast %max3A_263 : f32 to vector<384x384xf32>
    %max3A_265 = arith.maximumf %sub3A_253, %max3A_264 : vector<384x384xf32>
    %jit3A_266 = arith.constant 0.000000e+00 : f32
    %broadcast_in_dim3A_267 = vector.broadcast %jit3A_266 : f32 to vector<384x384xf32>
    %select_n3A_268 = arith.select %eq3A_262, %max3A_265, %broadcast_in_dim3A_267 : vector<384x384xi1>, vector<384x384xf32>
    %reduce_sum3A_269 = vector.shape_cast %select_n3A_268 : vector<384x384xf32> to vector<1x384x384xf32>
    %reduce_sum3A_270 = arith.constant dense<0.000000e+00> : vector<1xf32>
    %reduce_sum3A_271 = vector.multi_reduction <add>, %reduce_sum3A_269, %reduce_sum3A_270 [1, 2] : vector<1x384x384xf32> to vector<1xf32>
    %reduce_sum3A_272 = vector.shape_cast %reduce_sum3A_271 : vector<1xf32> to vector<1x1x1xf32>
    %reduce_sum3A_273 = vector.extract %reduce_sum3A_272[0, 0, 0] : f32 from vector<1x1x1xf32>
    %sub3A_274 = arith.constant 0.000000e+00 : f32
    %sub3A_275 = arith.subf %sub3A_274, %reduce_sum3A_273 : f32
    %max3A_276 = arith.constant 0.000000e+00 : f32
    %max3A_277 = vector.broadcast %max3A_276 : f32 to vector<384x3072xf32>
    %max3A_278 = arith.maximumf %dot_general3A_246, %max3A_277 : vector<384x3072xf32>
    %reduce_sum3A_279 = arith.constant dense<0.000000e+00> : vector<3072xf32>
    %reduce_sum3A_280 = vector.multi_reduction <add>, %max3A_278, %reduce_sum3A_279 [0] : vector<384x3072xf32> to vector<3072xf32>
    %broadcast_in_dim3A_281 = vector.shape_cast %reduce_sum3A_280 : vector<3072xf32> to vector<1x3072xf32>
    %slice3A_282 = vector.extract_strided_slice %get3A_86 {offsets = [384, 0], sizes = [384, 32], strides = [1, 1]} : vector<768x32xf32> to vector<384x32xf32>
    %mul3A_283 = arith.mulf %slice3A_282, %slice3A_282 : vector<384x32xf32>
    %reduce_sum3A_284 = arith.constant dense<0.000000e+00> : vector<384xf32>
    %reduce_sum3A_285 = vector.multi_reduction <add>, %mul3A_283, %reduce_sum3A_284 [1] : vector<384x32xf32> to vector<384xf32>
    %broadcast_in_dim3A_286 = vector.shape_cast %reduce_sum3A_285 : vector<384xf32> to vector<384x1xf32>
    %mul3A_287 = arith.constant 768 : i32
    %mul3A_288 = arith.muli %arg0, %mul3A_287 : i32
    %add3A_289 = arith.constant 384 : i32
    %add3A_290 = arith.addi %mul3A_288, %add3A_289 : i32
    %iota3A_291 = tpu.iota {dimensions = array<i32: 0>} : vector<384x1xi32>
    %add3A_292 = vector.broadcast %add3A_290 : i32 to vector<384x1xi32>
    %add3A_293 = arith.addi %iota3A_291, %add3A_292 : vector<384x1xi32>
    %jit3A_294 = arith.constant 3 : i32
    %div3A_295 = vector.broadcast %jit3A_294 : i32 to vector<384x1xi32>
    %div3A_296 = arith.divsi %add3A_293, %div3A_295 : vector<384x1xi32>
    %sign3A_297 = arith.constant 0 : i32
    %sign3A_298 = vector.broadcast %sign3A_297 : i32 to vector<384x1xi32>
    %sign3A_299 = arith.cmpi sgt, %add3A_293, %sign3A_298 : vector<384x1xi32>
    %sign3A_300 = arith.extui %sign3A_299 : vector<384x1xi1> to vector<384x1xi32>
    %sign3A_301 = arith.constant 0 : i32
    %sign3A_302 = vector.broadcast %sign3A_301 : i32 to vector<384x1xi32>
    %sign3A_303 = arith.cmpi slt, %add3A_293, %sign3A_302 : vector<384x1xi32>
    %sign3A_304 = arith.extui %sign3A_303 : vector<384x1xi1> to vector<384x1xi32>
    %sign3A_305 = arith.subi %sign3A_300, %sign3A_304 : vector<384x1xi32>
    %sign3A_306 = arith.constant 0 : i32
    %sign3A_307 = arith.cmpi sgt, %jit3A_294, %sign3A_306 : i32
    %sign3A_308 = arith.extui %sign3A_307 : i1 to i32
    %sign3A_309 = arith.constant 0 : i32
    %sign3A_310 = arith.cmpi slt, %jit3A_294, %sign3A_309 : i32
    %sign3A_311 = arith.extui %sign3A_310 : i1 to i32
    %sign3A_312 = arith.subi %sign3A_308, %sign3A_311 : i32
    %ne3A_313 = vector.broadcast %sign3A_312 : i32 to vector<384x1xi32>
    %ne3A_314 = arith.cmpi ne, %sign3A_305, %ne3A_313 : vector<384x1xi32>
    %rem3A_315 = vector.broadcast %jit3A_294 : i32 to vector<384x1xi32>
    %rem3A_316 = arith.remsi %add3A_293, %rem3A_315 : vector<384x1xi32>
    %ne3A_317 = arith.constant 0 : i32
    %ne3A_318 = vector.broadcast %ne3A_317 : i32 to vector<384x1xi32>
    %ne3A_319 = arith.cmpi ne, %rem3A_316, %ne3A_318 : vector<384x1xi32>
    %and3A_320 = arith.andi %ne3A_314, %ne3A_319 : vector<384x1xi1>
    %sub3A_321 = arith.constant 1 : i32
    %sub3A_322 = vector.broadcast %sub3A_321 : i32 to vector<384x1xi32>
    %sub3A_323 = arith.subi %div3A_296, %sub3A_322 : vector<384x1xi32>
    %select_n3A_324 = arith.select %and3A_320, %sub3A_323, %div3A_296 : vector<384x1xi1>, vector<384x1xi32>
    %iota3A_325 = tpu.iota {dimensions = array<i32: 1>} : vector<1x384xi32>
    %add3A_326 = vector.broadcast %add3A_290 : i32 to vector<1x384xi32>
    %add3A_327 = arith.addi %iota3A_325, %add3A_326 : vector<1x384xi32>
    %jit3A_328 = arith.constant 3 : i32
    %div3A_329 = vector.broadcast %jit3A_328 : i32 to vector<1x384xi32>
    %div3A_330 = arith.divsi %add3A_327, %div3A_329 : vector<1x384xi32>
    %sign3A_331 = arith.constant 0 : i32
    %sign3A_332 = vector.broadcast %sign3A_331 : i32 to vector<1x384xi32>
    %sign3A_333 = arith.cmpi sgt, %add3A_327, %sign3A_332 : vector<1x384xi32>
    %sign3A_334 = arith.extui %sign3A_333 : vector<1x384xi1> to vector<1x384xi32>
    %sign3A_335 = arith.constant 0 : i32
    %sign3A_336 = vector.broadcast %sign3A_335 : i32 to vector<1x384xi32>
    %sign3A_337 = arith.cmpi slt, %add3A_327, %sign3A_336 : vector<1x384xi32>
    %sign3A_338 = arith.extui %sign3A_337 : vector<1x384xi1> to vector<1x384xi32>
    %sign3A_339 = arith.subi %sign3A_334, %sign3A_338 : vector<1x384xi32>
    %sign3A_340 = arith.constant 0 : i32
    %sign3A_341 = arith.cmpi sgt, %jit3A_328, %sign3A_340 : i32
    %sign3A_342 = arith.extui %sign3A_341 : i1 to i32
    %sign3A_343 = arith.constant 0 : i32
    %sign3A_344 = arith.cmpi slt, %jit3A_328, %sign3A_343 : i32
    %sign3A_345 = arith.extui %sign3A_344 : i1 to i32
    %sign3A_346 = arith.subi %sign3A_342, %sign3A_345 : i32
    %ne3A_347 = vector.broadcast %sign3A_346 : i32 to vector<1x384xi32>
    %ne3A_348 = arith.cmpi ne, %sign3A_339, %ne3A_347 : vector<1x384xi32>
    %rem3A_349 = vector.broadcast %jit3A_328 : i32 to vector<1x384xi32>
    %rem3A_350 = arith.remsi %add3A_327, %rem3A_349 : vector<1x384xi32>
    %ne3A_351 = arith.constant 0 : i32
    %ne3A_352 = vector.broadcast %ne3A_351 : i32 to vector<1x384xi32>
    %ne3A_353 = arith.cmpi ne, %rem3A_350, %ne3A_352 : vector<1x384xi32>
    %and3A_354 = arith.andi %ne3A_348, %ne3A_353 : vector<1x384xi1>
    %sub3A_355 = arith.constant 1 : i32
    %sub3A_356 = vector.broadcast %sub3A_355 : i32 to vector<1x384xi32>
    %sub3A_357 = arith.subi %div3A_330, %sub3A_356 : vector<1x384xi32>
    %select_n3A_358 = arith.select %and3A_354, %sub3A_357, %div3A_330 : vector<1x384xi1>, vector<1x384xi32>
    %get3A_359 = arith.constant 0 : index
    %get3A_360 = arith.constant 384 : index
    %get3A_361 = vector.load %arg6[%get3A_359, %get3A_360] : memref<32x768xf32, #tpu.memory_space<vmem>>, vector<32x384xf32>
    %reduce_max3A_362 = arith.constant dense<0xFF800000> : vector<384xf32>
    %reduce_max3A_363 = vector.multi_reduction <maximumf>, %get3A_361, %reduce_max3A_362 [0] : vector<32x384xf32> to vector<384xf32>
    %broadcast_in_dim3A_364 = vector.shape_cast %reduce_max3A_363 : vector<384xf32> to vector<1x384xf32>
    %mul3A_365 = arith.mulf %slice3A_282, %slice3A_282 : vector<384x32xf32>
    %dot_general3A_366 = arith.constant dense<0.000000e+00> : vector<1x384xf32>
    %dot_general3A_367 = tpu.matmul %broadcast_in_dim3A_0, %mul3A_365, %dot_general3A_366 {dimension_numbers = #tpu.dot_dimension_numbers<[1], [1], [0], [0], [0, 0, 1, 0], [], []>, transpose_lhs_hint = false} : vector<1x32xf32>, vector<384x32xf32>, vector<1x384xf32> -> vector<1x384xf32>
    %dot_general3A_368 = arith.constant dense<0.000000e+00> : vector<384x384xf32>
    %dot_general3A_369 = tpu.matmul %slice3A_282, %slice3A_282, %dot_general3A_368 {dimension_numbers = #tpu.dot_dimension_numbers<[1], [1], [0], [0], [0, 0, 1, 0], [], []>, transpose_lhs_hint = false} : vector<384x32xf32>, vector<384x32xf32>, vector<384x384xf32> -> vector<384x384xf32>
    %add3A_370 = vector.broadcast %broadcast_in_dim3A_286 : vector<384x1xf32> to vector<384x384xf32>
    %add3A_371 = vector.broadcast %dot_general3A_367 : vector<1x384xf32> to vector<384x384xf32>
    %add3A_372 = arith.addf %add3A_370, %add3A_371 : vector<384x384xf32>
    %mul3A_373 = arith.constant 2.000000e+00 : f32
    %mul3A_374 = vector.broadcast %mul3A_373 : f32 to vector<384x384xf32>
    %mul3A_375 = arith.mulf %mul3A_374, %dot_general3A_369 : vector<384x384xf32>
    %sub3A_376 = arith.subf %add3A_372, %mul3A_375 : vector<384x384xf32>
    %eq3A_377 = vector.broadcast %select_n3A_324 : vector<384x1xi32> to vector<384x384xi32>
    %eq3A_378 = vector.broadcast %select_n3A_358 : vector<1x384xi32> to vector<384x384xi32>
    %eq3A_379 = arith.cmpi eq, %eq3A_377, %eq3A_378 : vector<384x384xi32>
    %eq3A_380 = vector.broadcast %add3A_293 : vector<384x1xi32> to vector<384x384xi32>
    %eq3A_381 = vector.broadcast %add3A_327 : vector<1x384xi32> to vector<384x384xi32>
    %eq3A_382 = arith.cmpi eq, %eq3A_380, %eq3A_381 : vector<384x384xi32>
    %broadcast_in_dim3A_383 = vector.shape_cast %broadcast_in_dim3A_364 : vector<1x384xf32> to vector<1x384xf32>
    %broadcast_in_dim3A_384 = vector.broadcast %broadcast_in_dim3A_383 : vector<1x384xf32> to vector<384x384xf32>
    %jit3A_385 = arith.constant 0.000000e+00 : f32
    %broadcast_in_dim3A_386 = vector.broadcast %jit3A_385 : f32 to vector<384x384xf32>
    %select_n3A_387 = arith.select %eq3A_382, %broadcast_in_dim3A_384, %broadcast_in_dim3A_386 : vector<384x384xi1>, vector<384x384xf32>
    %reduce_max3A_388 = arith.constant dense<0xFF800000> : vector<384xf32>
    %reduce_max3A_389 = vector.multi_reduction <maximumf>, %select_n3A_387, %reduce_max3A_388 [1] : vector<384x384xf32> to vector<384xf32>
    %broadcast_in_dim3A_390 = vector.shape_cast %reduce_max3A_389 : vector<384xf32> to vector<384x1xf32>
    %gt3A_391 = arith.constant 5.000000e-01 : f32
    %gt3A_392 = vector.broadcast %gt3A_391 : f32 to vector<384x1xf32>
    %gt3A_393 = arith.cmpf ogt, %broadcast_in_dim3A_390, %gt3A_392 : vector<384x1xf32>
    %and3A_394 = vector.broadcast %gt3A_393 : vector<384x1xi1> to vector<384x384xi1>
    %and3A_395 = arith.andi %eq3A_379, %and3A_394 : vector<384x384xi1>
    %jit3A_396 = arith.constant -1.000000e+30 : f32
    %broadcast_in_dim3A_397 = vector.broadcast %jit3A_396 : f32 to vector<384x384xf32>
    %select_n3A_398 = arith.select %and3A_395, %sub3A_376, %broadcast_in_dim3A_397 : vector<384x384xi1>, vector<384x384xf32>
    %reduce_max3A_399 = arith.constant dense<0xFF800000> : vector<384xf32>
    %reduce_max3A_400 = vector.multi_reduction <maximumf>, %select_n3A_398, %reduce_max3A_399 [0] : vector<384x384xf32> to vector<384xf32>
    %broadcast_in_dim3A_401 = vector.shape_cast %reduce_max3A_400 : vector<384xf32> to vector<1x384xf32>
    %broadcast_in_dim3A_402 = vector.shape_cast %broadcast_in_dim3A_401 : vector<1x384xf32> to vector<1x384xf32>
    %broadcast_in_dim3A_403 = vector.broadcast %broadcast_in_dim3A_402 : vector<1x384xf32> to vector<384x384xf32>
    %gt3A_404 = arith.constant 5.000000e-01 : f32
    %gt3A_405 = vector.broadcast %gt3A_404 : f32 to vector<384x384xf32>
    %gt3A_406 = arith.cmpf ogt, %broadcast_in_dim3A_384, %gt3A_405 : vector<384x384xf32>
    %and3A_407 = arith.andi %eq3A_379, %gt3A_406 : vector<384x384xi1>
    %jit3A_408 = arith.constant -1.000000e+30 : f32
    %broadcast_in_dim3A_409 = vector.broadcast %jit3A_408 : f32 to vector<384x384xf32>
    %select_n3A_410 = arith.select %and3A_407, %broadcast_in_dim3A_403, %broadcast_in_dim3A_409 : vector<384x384xi1>, vector<384x384xf32>
    %reduce_max3A_411 = arith.constant dense<0xFF800000> : vector<384xf32>
    %reduce_max3A_412 = vector.multi_reduction <maximumf>, %select_n3A_410, %reduce_max3A_411 [1] : vector<384x384xf32> to vector<384xf32>
    %broadcast_in_dim3A_413 = vector.shape_cast %reduce_max3A_412 : vector<384xf32> to vector<384x1xf32>
    %jit3A_414 = arith.constant 0.000000e+00 : f32
    %broadcast_in_dim3A_415 = vector.broadcast %jit3A_414 : f32 to vector<384x384xf32>
    %select_n3A_416 = arith.select %eq3A_379, %broadcast_in_dim3A_384, %broadcast_in_dim3A_415 : vector<384x384xi1>, vector<384x384xf32>
    %reduce_sum3A_417 = arith.constant dense<0.000000e+00> : vector<384xf32>
    %reduce_sum3A_418 = vector.multi_reduction <add>, %select_n3A_416, %reduce_sum3A_417 [1] : vector<384x384xf32> to vector<384xf32>
    %broadcast_in_dim3A_419 = vector.shape_cast %reduce_sum3A_418 : vector<384xf32> to vector<384x1xf32>
    %gt3A_420 = arith.constant 1.500000e+00 : f32
    %gt3A_421 = vector.broadcast %gt3A_420 : f32 to vector<384x1xf32>
    %gt3A_422 = arith.cmpf ogt, %broadcast_in_dim3A_419, %gt3A_421 : vector<384x1xf32>
    %convert_element_type3A_423 = arith.extui %gt3A_422 : vector<384x1xi1> to vector<384x1xi32>
    %convert_element_type3A_424 = arith.sitofp %convert_element_type3A_423 : vector<384x1xi32> to vector<384x1xf32>
    %mul3A_425 = arith.mulf %convert_element_type3A_424, %broadcast_in_dim3A_390 : vector<384x1xf32>
    %gt3A_426 = arith.constant 5.000000e-01 : f32
    %gt3A_427 = vector.broadcast %gt3A_426 : f32 to vector<384x1xf32>
    %gt3A_428 = arith.cmpf ogt, %mul3A_425, %gt3A_427 : vector<384x1xf32>
    %add3A_429 = arith.constant 1.000000e+00 : f32
    %add3A_430 = vector.broadcast %add3A_429 : f32 to vector<384x1xf32>
    %add3A_431 = arith.addf %add3A_430, %broadcast_in_dim3A_413 : vector<384x1xf32>
    %sub3A_432 = arith.subf %add3A_431, %broadcast_in_dim3A_286 : vector<384x1xf32>
    %jit3A_433 = arith.constant -1.000000e+30 : f32
    %broadcast_in_dim3A_434 = vector.broadcast %jit3A_433 : f32 to vector<384x1xf32>
    %select_n3A_435 = arith.select %gt3A_428, %sub3A_432, %broadcast_in_dim3A_434 : vector<384x1xi1>, vector<384x1xf32>
    %add3A_436 = arith.addf %slice3A_282, %slice3A_282 : vector<384x32xf32>
    %broadcast_in_dim3A_437 = arith.constant 1.000000e+00 : f32
    %broadcast_in_dim3A_438 = vector.broadcast %broadcast_in_dim3A_437 : f32 to vector<384x1xf32>
    %broadcast_in_dim3A_439 = arith.constant 0.000000e+00 : f32
    %broadcast_in_dim3A_440 = vector.broadcast %broadcast_in_dim3A_439 : f32 to vector<384x6xf32>
    %concatenate3A_441 = tpu.concatenate %add3A_436, %select_n3A_435, %broadcast_in_dim3A_438, %broadcast_in_dim3A_440 in 1 : vector<384x32xf32>, vector<384x1xf32>, vector<384x1xf32>, vector<384x6xf32> -> vector<384x40xf32>
    %dot_general3A_442 = arith.constant dense<0.000000e+00> : vector<384x3072xf32>
    %dot_general3A_443 = tpu.matmul %concatenate3A_441, %get3A_4, %dot_general3A_442 {dimension_numbers = #tpu.dot_dimension_numbers<[1], [1], [0], [0], [0, 0, 1, 0], [], []>, transpose_lhs_hint = false} : vector<384x40xf32>, vector<3072x40xf32>, vector<384x3072xf32> -> vector<384x3072xf32>
    %mul3A_444 = arith.constant 2.000000e+00 : f32
    %mul3A_445 = vector.broadcast %mul3A_444 : f32 to vector<384x384xf32>
    %mul3A_446 = arith.mulf %mul3A_445, %dot_general3A_369 : vector<384x384xf32>
    %add3A_447 = vector.broadcast %select_n3A_435 : vector<384x1xf32> to vector<384x384xf32>
    %add3A_448 = arith.addf %mul3A_446, %add3A_447 : vector<384x384xf32>
    %sub3A_449 = vector.broadcast %dot_general3A_367 : vector<1x384xf32> to vector<384x384xf32>
    %sub3A_450 = arith.subf %add3A_448, %sub3A_449 : vector<384x384xf32>
    %gt3A_451 = arith.constant 5.000000e-01 : f32
    %gt3A_452 = vector.broadcast %gt3A_451 : f32 to vector<1x384xf32>
    %gt3A_453 = arith.cmpf ogt, %broadcast_in_dim3A_364, %gt3A_452 : vector<1x384xf32>
    %jit3A_454 = arith.constant -1 : i32
    %broadcast_in_dim3A_455 = vector.broadcast %jit3A_454 : i32 to vector<1x384xi32>
    %select_n3A_456 = arith.select %gt3A_453, %select_n3A_358, %broadcast_in_dim3A_455 : vector<1x384xi1>, vector<1x384xi32>
    %eq3A_457 = vector.broadcast %select_n3A_456 : vector<1x384xi32> to vector<384x384xi32>
    %eq3A_458 = vector.broadcast %select_n3A_324 : vector<384x1xi32> to vector<384x384xi32>
    %eq3A_459 = arith.cmpi eq, %eq3A_457, %eq3A_458 : vector<384x384xi32>
    %max3A_460 = arith.constant 0.000000e+00 : f32
    %max3A_461 = vector.broadcast %max3A_460 : f32 to vector<384x384xf32>
    %max3A_462 = arith.maximumf %sub3A_450, %max3A_461 : vector<384x384xf32>
    %jit3A_463 = arith.constant 0.000000e+00 : f32
    %broadcast_in_dim3A_464 = vector.broadcast %jit3A_463 : f32 to vector<384x384xf32>
    %select_n3A_465 = arith.select %eq3A_459, %max3A_462, %broadcast_in_dim3A_464 : vector<384x384xi1>, vector<384x384xf32>
    %reduce_sum3A_466 = vector.shape_cast %select_n3A_465 : vector<384x384xf32> to vector<1x384x384xf32>
    %reduce_sum3A_467 = arith.constant dense<0.000000e+00> : vector<1xf32>
    %reduce_sum3A_468 = vector.multi_reduction <add>, %reduce_sum3A_466, %reduce_sum3A_467 [1, 2] : vector<1x384x384xf32> to vector<1xf32>
    %reduce_sum3A_469 = vector.shape_cast %reduce_sum3A_468 : vector<1xf32> to vector<1x1x1xf32>
    %reduce_sum3A_470 = vector.extract %reduce_sum3A_469[0, 0, 0] : f32 from vector<1x1x1xf32>
    %sub3A_471 = arith.subf %sub3A_275, %reduce_sum3A_470 : f32
    %max3A_472 = arith.constant 0.000000e+00 : f32
    %max3A_473 = vector.broadcast %max3A_472 : f32 to vector<384x3072xf32>
    %max3A_474 = arith.maximumf %dot_general3A_443, %max3A_473 : vector<384x3072xf32>
    %reduce_sum3A_475 = arith.constant dense<0.000000e+00> : vector<3072xf32>
    %reduce_sum3A_476 = vector.multi_reduction <add>, %max3A_474, %reduce_sum3A_475 [0] : vector<384x3072xf32> to vector<3072xf32>
    %broadcast_in_dim3A_477 = vector.shape_cast %reduce_sum3A_476 : vector<3072xf32> to vector<1x3072xf32>
    %add3A_478 = arith.addf %broadcast_in_dim3A_281, %broadcast_in_dim3A_477 : vector<1x3072xf32>
    %get3A_479 = arith.constant 2 : index
    %get3A_480 = memref.load %arg7[%get3A_479] : memref<4xf32, #tpu.memory_space<smem>>
    %add3A_481 = arith.addf %get3A_480, %sub3A_471 : f32
    %swap3A_482 = arith.constant 2 : index
    %swap3A_483 = memref.load %arg7[%swap3A_482] : memref<4xf32, #tpu.memory_space<smem>>
    memref.store %add3A_481, %arg7[%swap3A_482] : memref<4xf32, #tpu.memory_space<smem>>
    %eq3A_484 = arith.constant 0 : i32
    %eq3A_485 = arith.cmpi eq, %arg0, %eq3A_484 : i32
    %convert_element_type3A_486 = arith.extui %eq3A_485 : i1 to i32
    %cond3A_487 = arith.constant 0 : i32
    %cond3A_488 = arith.cmpi ne, %convert_element_type3A_486, %cond3A_487 : i32
    scf.if %cond3A_488 {
      %swap3A_499 = arith.constant 1 : index
      %swap3A_500 = arith.constant 0 : index
      %swap3A_501 = vector.load %arg10[%swap3A_499, %swap3A_500] : memref<2x3072xf32, #tpu.memory_space<vmem>>, vector<1x3072xf32>
      tpu.vector_store %arg10[%swap3A_499, %swap3A_500], %add3A_478 {strides = array<i32>} : memref<2x3072xf32, #tpu.memory_space<vmem>>, vector<1x3072xf32>,
    } else {
    }
    %gt3A_489 = arith.constant 0 : i32
    %gt3A_490 = arith.cmpi sgt, %arg0, %gt3A_489 : i32
    %convert_element_type3A_491 = arith.extui %gt3A_490 : i1 to i32
    %cond3A_492 = arith.constant 0 : i32
    %cond3A_493 = arith.cmpi ne, %convert_element_type3A_491, %cond3A_492 : i32
    scf.if %cond3A_493 {
      %get3A_499 = arith.constant 1 : index
      %get3A_500 = arith.constant 0 : index
      %get3A_501 = vector.load %arg10[%get3A_499, %get3A_500] : memref<2x3072xf32, #tpu.memory_space<vmem>>, vector<1x3072xf32>
      %add3A_502 = arith.addf %get3A_501, %add3A_478 : vector<1x3072xf32>
      %swap3A_503 = arith.constant 1 : index
      %swap3A_504 = arith.constant 0 : index
      %swap3A_505 = vector.load %arg10[%swap3A_503, %swap3A_504] : memref<2x3072xf32, #tpu.memory_space<vmem>>, vector<1x3072xf32>
      tpu.vector_store %arg10[%swap3A_503, %swap3A_504], %add3A_502 {strides = array<i32>} : memref<2x3072xf32, #tpu.memory_space<vmem>>, vector<1x3072xf32>,
    } else {
    }
    %eq3A_494 = arith.constant 3 : i32
    %eq3A_495 = arith.cmpi eq, %arg0, %eq3A_494 : i32
    %convert_element_type3A_496 = arith.extui %eq3A_495 : i1 to i32
    %cond3A_497 = arith.constant 0 : i32
    %cond3A_498 = arith.cmpi ne, %convert_element_type3A_496, %cond3A_497 : i32
    scf.if %cond3A_498 {
      %get3A_499 = arith.constant 1 : index
      %get3A_500 = memref.load %arg7[%get3A_499] : memref<4xf32, #tpu.memory_space<smem>>
      %get3A_501 = arith.constant 0 : index
      %get3A_502 = arith.constant 0 : index
      %get3A_503 = vector.load %arg10[%get3A_501, %get3A_502] : memref<2x3072xf32, #tpu.memory_space<vmem>>, vector<1x3072xf32>
      %reduce_sum3A_504 = vector.shape_cast %get3A_503 : vector<1x3072xf32> to vector<1x1x3072xf32>
      %reduce_sum3A_505 = arith.constant dense<0.000000e+00> : vector<1xf32>
      %reduce_sum3A_506 = vector.multi_reduction <add>, %reduce_sum3A_504, %reduce_sum3A_505 [1, 2] : vector<1x1x3072xf32> to vector<1xf32>
      %reduce_sum3A_507 = vector.shape_cast %reduce_sum3A_506 : vector<1xf32> to vector<1x1x1xf32>
      %reduce_sum3A_508 = vector.extract %reduce_sum3A_507[0, 0, 0] : f32 from vector<1x1x1xf32>
      %add3A_509 = arith.addf %get3A_500, %reduce_sum3A_508 : f32
      %swap3A_510 = arith.constant 1 : index
      %swap3A_511 = memref.load %arg7[%swap3A_510] : memref<4xf32, #tpu.memory_space<smem>>
      memref.store %add3A_509, %arg7[%swap3A_510] : memref<4xf32, #tpu.memory_space<smem>>
      %get3A_512 = arith.constant 2 : index
      %get3A_513 = memref.load %arg7[%get3A_512] : memref<4xf32, #tpu.memory_space<smem>>
      %get3A_514 = arith.constant 1 : index
      %get3A_515 = arith.constant 0 : index
      %get3A_516 = vector.load %arg10[%get3A_514, %get3A_515] : memref<2x3072xf32, #tpu.memory_space<vmem>>, vector<1x3072xf32>
      %reduce_sum3A_517 = vector.shape_cast %get3A_516 : vector<1x3072xf32> to vector<1x1x3072xf32>
      %reduce_sum3A_518 = arith.constant dense<0.000000e+00> : vector<1xf32>
      %reduce_sum3A_519 = vector.multi_reduction <add>, %reduce_sum3A_517, %reduce_sum3A_518 [1, 2] : vector<1x1x3072xf32> to vector<1xf32>
      %reduce_sum3A_520 = vector.shape_cast %reduce_sum3A_519 : vector<1xf32> to vector<1x1x1xf32>
      %reduce_sum3A_521 = vector.extract %reduce_sum3A_520[0, 0, 0] : f32 from vector<1x1x1xf32>
      %add3A_522 = arith.addf %get3A_513, %reduce_sum3A_521 : f32
      %swap3A_523 = arith.constant 2 : index
      %swap3A_524 = memref.load %arg7[%swap3A_523] : memref<4xf32, #tpu.memory_space<smem>>
      memref.store %add3A_522, %arg7[%swap3A_523] : memref<4xf32, #tpu.memory_space<smem>>
    } else {
    }
    return
  }
  func.func @transform_0(%arg0: i32) -> (i32, i32) {
    %c0_i32 = arith.constant 0 : i32
    %c0_i32_0 = arith.constant 0 : i32
    return %arg0, %c0_i32 : i32, i32
  }
  func.func @transform_1(%arg0: i32) -> (i32, i32) {
    %c0_i32 = arith.constant 0 : i32
    %c0_i32_0 = arith.constant 0 : i32
    %c0_i32_1 = arith.constant 0 : i32
    return %c0_i32, %c0_i32_0 : i32, i32
  }
  func.func @transform_2(%arg0: i32) -> (i32, i32) {
    %c0_i32 = arith.constant 0 : i32
    %c0_i32_0 = arith.constant 0 : i32
    return %arg0, %c0_i32 : i32, i32
  }
  func.func @transform_3(%arg0: i32) -> (i32, i32) {
    %c0_i32 = arith.constant 0 : i32
    %c0_i32_0 = arith.constant 0 : i32
    return %arg0, %c0_i32 : i32, i32
  }
  func.func @transform_4(%arg0: i32) -> (i32, i32) {
    %c0_i32 = arith.constant 0 : i32
    %c0_i32_0 = arith.constant 0 : i32
    %c0_i32_1 = arith.constant 0 : i32
    return %c0_i32, %c0_i32_0 : i32, i32
  }
  func.func @transform_5(%arg0: i32) -> (i32, i32) {
    %c0_i32 = arith.constant 0 : i32
    %c0_i32_0 = arith.constant 0 : i32
    return %c0_i32, %arg0 : i32, i32
  }
  func.func @transform_6(%arg0: i32) -> i32 {
    %c0_i32 = arith.constant 0 : i32
    %c0_i32_0 = arith.constant 0 : i32
    return %c0_i32 : i32
  }
}

</mosaic_0001>

<sc_bundles>
// kernel: kernel.4.cloned.1.call-start
scs
__scs_entry_jumppad:
0x0: {  	(pc) =	sbr.rel $0x88, $3  }
0x1: {  	(tag) =	ssettag $0x0;
	lr =	simm.s32 $0x1  }
0x2: {  	[smem:$0x3F9E] =	sst lr;
	_ =	strace $0xD0000000  }
0x3: {  	_ = 	snop  }
0x4: {  	_ = 	snop  }
0x5: {  	_ = 	snop  }
0x6: {  	_ = 	snop  }
0x7: {  	_ = 	snop  }
__scs_overlays_trampoline_lowered:
0x8: {  	[smem:$0x3FAD] =	sst s0  }
0x9: {  	[smem:$0x3FAE] =	sst s1  }
0xa: {  	[smem:$0x3FAF] =	sst s2  }
0xb: {  	[smem:$0x3FB0] =	sst s3  }
0xc: {  	[smem:$0x3FB1] =	sst s4  }
0xd: {  	[smem:$0x3FB2] =	sst s5  }
0xe: {  	[smem:$0x3FB3] =	sst s6  }
0xf: {  	[smem:$0x3FB4] =	sst s7  }
0x10: {  	[smem:$0x3FB5] =	sst s8  }
0x11: {  	[smem:$0x3FB6] =	sst s9;
	s0 =	simm.s32 @!p0 $0x0  }
0x12: {  	s1 =	sld [smem:$0x3F9C];
	s0 =	simm.s32 @p0 $0x1  }
0x13: {  	[smem:$0x3FB7] =	sst s0;
	s0 =	simm.s32 @!p1 $0x0  }
0x14: {  	s2 =	sld [smem:$0x3F9B];
	s0 =	simm.s32 @p1 $0x1  }
0x15: {  	[smem:$0x3FB8] =	sst s0;
	s0 =	simm.s32 @!p2 $0x0  }
0x16: {  	s3 =	sld [smem:$0x3FDB];
	s0 =	simm.s32 @p2 $0x1  }
0x17: {  	s4 =	simm.s32 $0x1BF5;
	[smem:$0x3FBA] =	sst s0  }
0x18: {  	s0 =	sld [smem:$0x3F9D];
	_ =	swait.ge [sflag:s4], $0x0  }
0x19: {  	s7 =	sld [smem:$0x3F9E]  }
0x1a: {  	s8 =	sadd.s32 $0xFFFFE003, lr  }
0x1b: {  	s9 =	sadd.s32 $0xFFFFFEF7, lr;
	s5 =	simm.s32 $0xFFFFFFFF;
	p2 =	slt.u32 s8, $0xFFFFF086  }
0x1c: {  	p1 =	slt.u32 s9, $0xF7A;
	s5 =	simm.s32 @!p2 $0x0  }
0x1d: {  	s5 =	simm.s32 @p1 $0x1;
	p0 =	seq.s32 s7, s2  }
0x1e: {  	s7 =	smul.u32 @!p0 $0xF7A, s2;
	p2 =	seq.s32 @!p0 s5, $0x0  }
0x1f: {  	s9 =	smul.u32 $0xF7A, s1;
	s8 =	simm.s32 @!p0 $0x1BF5;
	p2 =	por !p2, p0  }
0x20: {  	[sflag:s8] =	ssyncset.s32 @!p0 $0xFFFFF086;
	s6 =	sadd.s32 @!p0 s3, s7;
	s7 =	simm.s32 @!p0 $0x108  }
0x21: {  	s3 =	sadd.s32 s3, s9;
	s6 =	sadd.s32 @!p0 $0x88, s6;
	s7 =	simm.s32 @p2 $0x1082  }
0x22: {  	[simem:s7], [sflag:s8] =	dma.local @!p0 [hbm:s6], $0xF7A  }
0x23: {  	s9 =	sor.u32 $0xD0000000, s2;
	s6 =	simm.s32 $0x108;
	_ =	swait.ge @!p0 [sflag:s8], $0x0  }
0x24: {  	s3 =	sadd.s32 $0x88, s3;
	s6 =	simm.s32 @!p1 $0x1082;
	[sflag:s4] =	ssyncset.s32 $0xFFFFF086  }
0x25: {  	[simem:s6], [sflag:s4] =	dma.local [hbm:s3], $0xF7A  }
0x26: {  	[smem:$0x3F9E] =	sst s1;
	(tag) =	ssettag s2;
	_ =	strace s9  }
0x27: {  	s1 =	sld [smem:$0x3FAE]  }
0x28: {  	s2 =	sld [smem:$0x3FAF]  }
0x29: {  	s4 =	sld [smem:$0x3FB1]  }
0x2a: {  	p0 =	seq.s32 s5, $0x0;
	s5 =	sld [smem:$0x3FB2]  }
0x2b: {  	s6 =	sld [smem:$0x3FB3]  }
0x2c: {  	s7 =	sld [smem:$0x3FB4]  }
0x2d: {  	s3 =	simm.s32 $0x108;
	s8 =	sld [smem:$0x3FB5]  }
0x2e: {  	s3 =	simm.s32 @!p0 $0x1082;
	s9 =	sld [smem:$0x3FB6]  }
0x2f: {  	lr =	sadd.s32 s0, s3;
	s0 =	sld [smem:$0x3FAD]  }
0x30: {  	s3 =	sld [smem:$0x3FB0]  }
0x31: {  	[smem:$0x3FB9] =	sst s10  }
0x32: {  	s10 =	sld [smem:$0x3FB7];
	_ =	sdelay $0x3  }
0x33: {  	p0 =	seq.s32 s10, $0x1;
	s10 =	sld [smem:$0x3FB9];
	_ =	sdelay $0x3  }
0x34: {  	[smem:$0x3FB9] =	sst s10  }
0x35: {  	s10 =	sld [smem:$0x3FB8];
	_ =	sdelay $0x3  }
0x36: {  	p1 =	seq.s32 s10, $0x1;
	s10 =	sld [smem:$0x3FB9];
	_ =	sdelay $0x3  }
0x37: {  	[smem:$0x3FB9] =	sst s10  }
0x38: {  	s10 =	sld [smem:$0x3FBA]  }
0x39: {  	_ = 	snop;
	(pc) =	sbr.ind lr, $3  }
0x3a: {  	_ = 	snop  }
0x3b: {  	_ = 	snop  }
0x3c: {  	p2 =	seq.s32 s10, $0x1;
	s10 =	sld [smem:$0x3FB9]  }
0x3d: {  	_ =	shalt  }
0x3e: {  	_ =	shalt  }
0x3f: {  	_ =	shalt  }
0x40: {  	_ =	shalt  }
0x41: {  	_ =	shalt  }
0x42: {  	_ =	shalt  }
0x43: {  	_ =	shalt  }
0x44: {  	_ =	shalt  }
0x45: {  	_ =	shalt  }
0x46: {  	_ =	shalt  }
0x47: {  	_ =	shalt  }
0x48: {  	_ =	shalt  }
0x49: {  	_ =	shalt  }
0x4a: {  	_ =	shalt  }
0x4b: {  	_ =	shalt  }
0x4c: {  	_ =	shalt  }
0x4d: {  	_ =	shalt  }
0x4e: {  	_ =	shalt  }
0x4f: {  	_ =	shalt  }
0x50: {  	_ =	shalt  }
0x51: {  	_ =	shalt  }
0x52: {  	_ =	shalt  }
0x53: {  	_ =	shalt  }
0x54: {  	_ =	shalt  }
0x55: {  	_ =	shalt  }
0x56: {  	_ =	shalt  }
0x57: {  	_ =	shalt  }
0x58: {  	_ =	shalt  }
0x59: {  	_ =	shalt  }
0x5a: {  	_ =	shalt  }
0x5b: {  	_ =	shalt  }
0x5c: {  	_ =	shalt  }
0x5d: {  	_ =	shalt  }
0x5e: {  	_ =	shalt  }
0x5f: {  	_ =	shalt  }
0x60: {  	_ =	shalt  }
0x61: {  	_ =	shalt  }
0x62: {  	_ =	shalt  }
0x63: {  	_ =	shalt  }
0x64: {  	_ =	shalt  }
0x65: {  	_ =	shalt  }
0x66: {  	_ =	shalt  }
0x67: {  	_ =	shalt  }
0x68: {  	_ =	shalt  }
0x69: {  	_ =	shalt  }
0x6a: {  	_ =	shalt  }
0x6b: {  	_ =	shalt  }
0x6c: {  	_ =	shalt  }
0x6d: {  	_ =	shalt  }
0x6e: {  	_ =	shalt  }
0x6f: {  	_ =	shalt  }
0x70: {  	_ =	shalt  }
0x71: {  	_ =	shalt  }
0x72: {  	_ =	shalt  }
0x73: {  	_ =	shalt  }
0x74: {  	_ =	shalt  }
0x75: {  	_ =	shalt  }
0x76: {  	_ =	shalt  }
0x77: {  	_ =	shalt  }
0x78: {  	_ =	shalt  }
0x79: {  	_ =	shalt  }
0x7a: {  	_ =	shalt  }
0x7b: {  	_ =	shalt  }
0x7c: {  	_ =	shalt  }
0x7d: {  	_ =	shalt  }
0x7e: {  	_ =	shalt  }
0x7f: {  	_ =	shalt  }
0x80: {  	_ =	shalt  }
0x81: {  	_ =	shalt  }
0x82: {  	_ =	shalt  }
0x83: {  	_ =	shalt  }
0x84: {  	_ =	shalt  }
0x85: {  	_ =	shalt  }
0x86: {  	_ =	shalt  }
0x87: {  	_ =	shalt  }
.Lfunc_end0:
.L_simem_size_0:
called_computation_lowered:
.L_overlay_start_0:
0x88: {  	s2 =	sld [smem:$0x3FD9]  }
0x89: {  	s3 =	sld [smem:$0x3FFE];
	_ =	sdelay $0x1  }
0x8a: {  	s1 =	srdreg.scid  }
0x8b: {  	s0 =	sand.u32 $0x1, s1  }
0x8c: {  	s17 =	sshll.u32 s0, $0xA;
	s2 =	sadd.s32 s3, s2  }
0x8d: {  	s2 =	sadd.s32 s2, s17  }
0x8e: {  	[smem:$0x3FC5] =	sst s2  }
0x8f: {  	_ = 	snop  }
0x90: {  	s2 =	sld [smem:$0x3FC8];
	(tm) =	ssettm $0x1  }
0x91: {  	s18 =	sld [smem:$0x3FFB];
	_ =	sdelay $0x3  }
0x92: {  	_ =	strace s18  }
0x93: {  	s3 =	sld [smem:$0x3FFC];
	_ =	sdelay $0x3  }
0x94: {  	_ =	strace s3  }
0x95: {  	s3 =	sld [smem:$0x3FFD];
	_ =	sdelay $0x3  }
0x96: {  	_ =	strace s3  }
0x97: {  	_ =	strace $0x8FFFFFFF  }
0x98: {  	s19 =	sld [smem:$0x3FDB];
	_ =	sdelay $0x1  }
0x99: {  	s4 =	simm.s32 $_scs_section_size  }
0x9a: {  	s5 =	simm.s32 $_size__tile_overlayer_lowered;
	s6 =	simm.s32 $_tile_overlayer_lowered  }
0x9b: {  	s22 =	simm.s32 $0x1BFF;
	s21 =	sshll.u32 s6, $0x1;
	s3 =	sadd.s32 s4, s19  }
0x9c: {  	s7 =	simm.s32 $0x0;
	s20 =	sshll.u32 s5, $0x1;
	s5 =	sadd.s32 s21, s3  }
0x9d: {  	[timem:s7], [sflag:s22] =	dma.local [hbm:s5], s20  }
0x9e: {  	_ =	swait.ge [sflag:s22], s20  }
0x9f: {  	s4 =	ssub.s32 $0x0, s20;
	[sflag:s22] =	ssyncset.done $0x0  }
0xa0: {  	[sflag:s22] =	ssyncadd.s32 s4;
	_ =	sdelay $0x1  }
0xa1: {  	s23 =	simm.s32 $0x1B8B  }
0xa2: {  	_ =	swait.ge [sflag:s23], $0x1  }
0xa3: {  	[sflag:s23] =	ssyncset.done $0x0  }
0xa4: {  	s25 =	simm.s32 $0x1B8E;
	s24 =	sld [smem:$0x3FFE];
	[sflag:s23] =	ssyncadd.s32 $0xFFFFFFFF  }
0xa5: {  	s26 =	simm.s32 $execute0_lowered;
	[smem:$0x3FD2] =	sst s25  }
0xa6: {  	s5 =	sshll.u32 s26, $0x1;
	_ =	strace $0x80000046;
	[dreg:$0x1] =	wrdreg $0xFFFFFFFF  }
0xa7: {  	s28 =	simm.s32 $_size_execute0_lowered;
	s3 =	sadd.s32 s3, s5;
	[dreg:$0x0] =	wrdreg $0x0  }
0xa8: {  	s5 =	sshll.u32 s28, $0x1;
	[dreg:$0x2] =	wrdreg s3  }
0xa9: {  	[dreg:$0x3] =	wrdreg s5  }
0xaa: {  	[dreg:$0x4] =	wrdreg $0xC0  }
0xab: {  	_ =	task [dreg:s7], $0x5FFFF  }
0xac: {  	[dreg:$0x1] =	wrdreg $0xFFFFFFFF  }
0xad: {  	[dreg:$0x0] =	wrdreg $0x60  }
0xae: {  	[dreg:$0x2] =	wrdreg s2  }
0xaf: {  	[dreg:$0x3] =	wrdreg s24  }
0xb0: {  	[dreg:$0x4] =	wrdreg $0x9  }
0xb1: {  	_ =	task.clear_ibuf [dreg:s7], $0x5FFFF;
	_ =	strace $0x90000046  }
0xb2: {  	s29 =	simm.s32 $0x9;
	_ =	strace $0x80000048  }
0xb3: {  	_ =	swait.ge [sflag:s29], $0x1  }
0xb4: {  	[sflag:s29] =	ssyncadd.s32 $0xFFFFFFFF  }
0xb5: {  	_ =	strace $0x90000048  }
0xb6: {  	_ =	sfence  }
0xb7: {  	s30 =	sld [smem:$0x0];
	_ =	sdelay $0x2  }
0xb8: {  	s31 =	sshll.u32 s1, $0xD;
	s1 =	sshrl.u32 s1, $0x2  }
0xb9: {  	s3 =	sand.u32 $0x4000, s31;
	s1 =	sadd.s32 s1, s30  }
0xba: {  	s0 =	sor.u32 s3, s0;
	s1 =	sshll.u32 s1, $0x11  }
0xbb: {  	s0 =	sor.u32 s1, s0  }
0xbc: {  	s0 =	sadd.s32 $0x8F2B, s0  }
0xbd: {  	[sflag:s0] =	ssyncadd.remote.s32 $0x1  }
0xbe: {  	_ =	sfence.sel $0xFFFF  }
0xbf: {  	[dreg:$0x0] =	wrdreg $0xFFFFFFFF;
	(pc) =	sbr.abs _section_cstart, $3  }
0xc0: {  	[dreg:$0x1] =	wrdreg $0xFFFFFFFF  }
0xc1: {  	_ =	task.clear_ibuf [dreg:s7], $0x2FFFF;
	_ =	strace $0x9FFFFFFF  }
0xc2: {  	(tm) =	ssettm $0x7FFFFFFF  }
0xc3: {  	_ =	shalt  }
tec
execute0_lowered:
.L_overlay_start_1:
0x0: {  	(tag) =	ssettag $0x1  }
0x1: {  	s4 =	rddreg [dreg:$0x0];
	s1 =	srdreg.scid  }
0x2: {  	s0 =	stileid.u32;
	s5 =	rddreg [dreg:$0x1]  }
0x3: {  	s11 =	simm.s32 $0x400;
	s12 =	simm.s32 $0x1;
	s6 =	sand.u32 $0x1, s1  }
0x4: {  	s2 =	sshll.u32 s0, $0x1;
	s1 =	rddreg [dreg:$0x2];
	s3 =	sshrl.u32 s0, $0x2  }
0x5: {  	s7 =	sor.u32 s6, s2;
	s2 =	simm.s32 $0x0;
	s3 =	smul.u32 $0x6000, s3  }
0x6: {  	s6 =	ssub.s32 $0x2, s6;
	s8 =	sshll.u32 s7, $0x7;
	[smem:$0x7FF] =	sst s2  }
0x7: {  	v0 =	vlaneseq.u32;
	s9 =	sshll.u32 s7, $0xB;
	s10 =	sshrl.u32 s6, $0x1;
	s31 =	sshll.u32 s7, $0x4  }
0x8: {  	v9 =	vmul.u32 $0x80, v0;
	s8 =	sand.u32 $0x380, s8;
	_ =	strace $0x80000047;
	s9 =	sadd.s32 s9, s5  }
0x9: {  	v1 =	vimm.f32 $1.000000000e+00;
	s10 =	ssub.s32 s6, s10;
	s4 =	sadd.s32 s4, s31;
	s8 =	sor.u32 s3, s8  }
0xa: {  	v0 =	vimm.f32 $0.0e+00;
	v2 =	vor.u32 $0x20, v9;
	v3 =	vor.u32 $0x820, v9;
	s3 =	sadd.s32 $0x1200, s5;
	s6 =	sadd.s32 $0xD200, s9;
	s8 =	sshrl.u32 s8, $0x3  }
0xb: {  	v4 =	vor.u32 $0x1020, v9;
	v5 =	vor.u32 $0x1820, v9;
	v6 =	vor.u32 $0x2020, v9;
	s7 =	smax.u32 s10, $0x1;
	s9 =	simm.s32 $0x80;
	s8 =	sadd.s32 s8, s5  }
0xc: {  	v7 =	vor.u32 $0x2820, v9;
	v8 =	vor.u32 $0x3020, v9;
	v9 =	vor.u32 $0x3820, v9;
	s10 =	simm.s32 $0x4080;
	s5 =	sadd.s32 $0x1D200, s8;
	s8 =	simm.s32 $0x2  }
.LBB2_1:
0xd: {  	[tilespmem:s2], [sflag:$0x2] =	stream.linear.gather [hbm4b:s4+s2], $0x80, $0x38;
	[tilespmem:$0x4C80] =	vst v63  }
0xe: {  	_ =	swait.ge [sflag:s8], $0x80  }
0xf: {  	[sflag:s8] =	ssyncset.done $0x0  }
0x10: {  	[sflag:s8] =	ssyncadd.s32 $0xFFFFFF80  }
0x11: {  	[tilespmem:s9], [sflag:$0x1] =	stream.indirect.gather [hbm4b:s3+s9], $0x80, s2, s9, $0xb8;
	[tilespmem:$0x4C80] =	vst v63  }
0x12: {  	[tilespmem:$0x4080] =	vst v0  }
0x13: {  	[tilespmem:$0x4090] =	vst v0  }
0x14: {  	[tilespmem:$0x40A0] =	vst v0  }
0x15: {  	[tilespmem:$0x40B0] =	vst v0  }
0x16: {  	[tilespmem:$0x40C0] =	vst v0  }
0x17: {  	[tilespmem:$0x40D0] =	vst v0  }
0x18: {  	[tilespmem:$0x40E0] =	vst v0  }
0x19: {  	[tilespmem:$0x40F0] =	vst v0  }
0x1a: {  	[tilespmem:$0x4100] =	vst v0  }
0x1b: {  	[tilespmem:$0x4110] =	vst v0  }
0x1c: {  	[tilespmem:$0x4120] =	vst v0  }
0x1d: {  	[tilespmem:$0x4130] =	vst v0  }
0x1e: {  	[tilespmem:$0x4140] =	vst v0  }
0x1f: {  	[tilespmem:$0x4150] =	vst v0  }
0x20: {  	[tilespmem:$0x4160] =	vst v0  }
0x21: {  	[tilespmem:$0x4170] =	vst v0  }
0x22: {  	[tilespmem:$0x4180] =	vst v0  }
0x23: {  	[tilespmem:$0x4190] =	vst v0  }
0x24: {  	[tilespmem:$0x41A0] =	vst v0  }
0x25: {  	[tilespmem:$0x41B0] =	vst v0  }
0x26: {  	[tilespmem:$0x41C0] =	vst v0  }
0x27: {  	[tilespmem:$0x41D0] =	vst v0  }
0x28: {  	[tilespmem:$0x41E0] =	vst v0  }
0x29: {  	[tilespmem:$0x41F0] =	vst v0  }
0x2a: {  	[tilespmem:$0x4200] =	vst v0  }
0x2b: {  	[tilespmem:$0x4210] =	vst v0  }
0x2c: {  	[tilespmem:$0x4220] =	vst v0  }
0x2d: {  	[tilespmem:$0x4230] =	vst v0  }
0x2e: {  	[tilespmem:$0x4240] =	vst v0  }
0x2f: {  	[tilespmem:$0x4250] =	vst v0  }
0x30: {  	[tilespmem:$0x4260] =	vst v0  }
0x31: {  	[tilespmem:$0x4270] =	vst v0  }
0x32: {  	[tilespmem:$0x4280] =	vst v0  }
0x33: {  	[tilespmem:$0x4290] =	vst v0  }
0x34: {  	[tilespmem:$0x42A0] =	vst v0  }
0x35: {  	[tilespmem:$0x42B0] =	vst v0  }
0x36: {  	[tilespmem:$0x42C0] =	vst v0  }
0x37: {  	[tilespmem:$0x42D0] =	vst v0  }
0x38: {  	[tilespmem:$0x42E0] =	vst v0  }
0x39: {  	[tilespmem:$0x42F0] =	vst v0  }
0x3a: {  	[tilespmem:$0x4300] =	vst v0  }
0x3b: {  	[tilespmem:$0x4310] =	vst v0  }
0x3c: {  	[tilespmem:$0x4320] =	vst v0  }
0x3d: {  	[tilespmem:$0x4330] =	vst v0  }
0x3e: {  	[tilespmem:$0x4340] =	vst v0  }
0x3f: {  	[tilespmem:$0x4350] =	vst v0  }
0x40: {  	[tilespmem:$0x4360] =	vst v0  }
0x41: {  	[tilespmem:$0x4370] =	vst v0  }
0x42: {  	[tilespmem:$0x4380] =	vst v0  }
0x43: {  	[tilespmem:$0x4390] =	vst v0  }
0x44: {  	[tilespmem:$0x43A0] =	vst v0  }
0x45: {  	[tilespmem:$0x43B0] =	vst v0  }
0x46: {  	[tilespmem:$0x43C0] =	vst v0  }
0x47: {  	[tilespmem:$0x43D0] =	vst v0  }
0x48: {  	[tilespmem:$0x43E0] =	vst v0  }
0x49: {  	[tilespmem:$0x43F0] =	vst v0  }
0x4a: {  	[tilespmem:$0x4400] =	vst v0  }
0x4b: {  	[tilespmem:$0x4410] =	vst v0  }
0x4c: {  	[tilespmem:$0x4420] =	vst v0  }
0x4d: {  	[tilespmem:$0x4430] =	vst v0  }
0x4e: {  	[tilespmem:$0x4440] =	vst v0  }
0x4f: {  	[tilespmem:$0x4450] =	vst v0  }
0x50: {  	[tilespmem:$0x4460] =	vst v0  }
0x51: {  	[tilespmem:$0x4470] =	vst v0  }
0x52: {  	[tilespmem:$0x4480] =	vst v0  }
0x53: {  	[tilespmem:$0x4490] =	vst v0  }
0x54: {  	[tilespmem:$0x44A0] =	vst v0  }
0x55: {  	[tilespmem:$0x44B0] =	vst v0  }
0x56: {  	[tilespmem:$0x44C0] =	vst v0  }
0x57: {  	[tilespmem:$0x44D0] =	vst v0  }
0x58: {  	[tilespmem:$0x44E0] =	vst v0  }
0x59: {  	[tilespmem:$0x44F0] =	vst v0  }
0x5a: {  	[tilespmem:$0x4500] =	vst v0  }
0x5b: {  	[tilespmem:$0x4510] =	vst v0  }
0x5c: {  	[tilespmem:$0x4520] =	vst v0  }
0x5d: {  	[tilespmem:$0x4530] =	vst v0  }
0x5e: {  	[tilespmem:$0x4540] =	vst v0  }
0x5f: {  	[tilespmem:$0x4550] =	vst v0  }
0x60: {  	[tilespmem:$0x4560] =	vst v0  }
0x61: {  	[tilespmem:$0x4570] =	vst v0  }
0x62: {  	[tilespmem:$0x4580] =	vst v0  }
0x63: {  	[tilespmem:$0x4590] =	vst v0  }
0x64: {  	[tilespmem:$0x45A0] =	vst v0  }
0x65: {  	[tilespmem:$0x45B0] =	vst v0  }
0x66: {  	[tilespmem:$0x45C0] =	vst v0  }
0x67: {  	[tilespmem:$0x45D0] =	vst v0  }
0x68: {  	[tilespmem:$0x45E0] =	vst v0  }
0x69: {  	[tilespmem:$0x45F0] =	vst v0  }
0x6a: {  	[tilespmem:$0x4600] =	vst v0  }
0x6b: {  	[tilespmem:$0x4610] =	vst v0  }
0x6c: {  	[tilespmem:$0x4620] =	vst v0  }
0x6d: {  	[tilespmem:$0x4630] =	vst v0  }
0x6e: {  	[tilespmem:$0x4640] =	vst v0  }
0x6f: {  	[tilespmem:$0x4650] =	vst v0  }
0x70: {  	[tilespmem:$0x4660] =	vst v0  }
0x71: {  	[tilespmem:$0x4670] =	vst v0  }
0x72: {  	[tilespmem:$0x4680] =	vst v0  }
0x73: {  	[tilespmem:$0x4690] =	vst v0  }
0x74: {  	[tilespmem:$0x46A0] =	vst v0  }
0x75: {  	[tilespmem:$0x46B0] =	vst v0  }
0x76: {  	[tilespmem:$0x46C0] =	vst v0  }
0x77: {  	[tilespmem:$0x46D0] =	vst v0  }
0x78: {  	[tilespmem:$0x46E0] =	vst v0  }
0x79: {  	[tilespmem:$0x46F0] =	vst v0  }
0x7a: {  	[tilespmem:$0x4700] =	vst v0  }
0x7b: {  	[tilespmem:$0x4710] =	vst v0  }
0x7c: {  	[tilespmem:$0x4720] =	vst v0  }
0x7d: {  	[tilespmem:$0x4730] =	vst v0  }
0x7e: {  	[tilespmem:$0x4740] =	vst v0  }
0x7f: {  	[tilespmem:$0x4750] =	vst v0  }
0x80: {  	[tilespmem:$0x4760] =	vst v0  }
0x81: {  	[tilespmem:$0x4770] =	vst v0  }
0x82: {  	[tilespmem:$0x4780] =	vst v0  }
0x83: {  	[tilespmem:$0x4790] =	vst v0  }
0x84: {  	[tilespmem:$0x47A0] =	vst v0  }
0x85: {  	[tilespmem:$0x47B0] =	vst v0  }
0x86: {  	[tilespmem:$0x47C0] =	vst v0  }
0x87: {  	[tilespmem:$0x47D0] =	vst v0  }
0x88: {  	[tilespmem:$0x47E0] =	vst v0  }
0x89: {  	[tilespmem:$0x47F0] =	vst v0  }
0x8a: {  	[tilespmem:$0x4800] =	vst v0  }
0x8b: {  	[tilespmem:$0x4810] =	vst v0  }
0x8c: {  	[tilespmem:$0x4820] =	vst v0  }
0x8d: {  	[tilespmem:$0x4830] =	vst v0  }
0x8e: {  	[tilespmem:$0x4840] =	vst v0  }
0x8f: {  	[tilespmem:$0x4850] =	vst v0  }
0x90: {  	[tilespmem:$0x4860] =	vst v0  }
0x91: {  	[tilespmem:$0x4870] =	vst v0  }
0x92: {  	[tilespmem:$0x4880] =	vst v0  }
0x93: {  	[tilespmem:$0x4890] =	vst v0  }
0x94: {  	[tilespmem:$0x48A0] =	vst v0  }
0x95: {  	[tilespmem:$0x48B0] =	vst v0  }
0x96: {  	[tilespmem:$0x48C0] =	vst v0  }
0x97: {  	[tilespmem:$0x48D0] =	vst v0  }
0x98: {  	[tilespmem:$0x48E0] =	vst v0  }
0x99: {  	[tilespmem:$0x48F0] =	vst v0  }
0x9a: {  	[tilespmem:$0x4900] =	vst v0  }
0x9b: {  	[tilespmem:$0x4910] =	vst v0  }
0x9c: {  	[tilespmem:$0x4920] =	vst v0  }
0x9d: {  	[tilespmem:$0x4930] =	vst v0  }
0x9e: {  	[tilespmem:$0x4940] =	vst v0  }
0x9f: {  	[tilespmem:$0x4950] =	vst v0  }
0xa0: {  	[tilespmem:$0x4960] =	vst v0  }
0xa1: {  	[tilespmem:$0x4970] =	vst v0  }
0xa2: {  	[tilespmem:$0x4980] =	vst v0  }
0xa3: {  	[tilespmem:$0x4990] =	vst v0  }
0xa4: {  	[tilespmem:$0x49A0] =	vst v0  }
0xa5: {  	[tilespmem:$0x49B0] =	vst v0  }
0xa6: {  	[tilespmem:$0x49C0] =	vst v0  }
0xa7: {  	[tilespmem:$0x49D0] =	vst v0  }
0xa8: {  	[tilespmem:$0x49E0] =	vst v0  }
0xa9: {  	[tilespmem:$0x49F0] =	vst v0  }
0xaa: {  	[tilespmem:$0x4A00] =	vst v0  }
0xab: {  	[tilespmem:$0x4A10] =	vst v0  }
0xac: {  	[tilespmem:$0x4A20] =	vst v0  }
0xad: {  	[tilespmem:$0x4A30] =	vst v0  }
0xae: {  	[tilespmem:$0x4A40] =	vst v0  }
0xaf: {  	[tilespmem:$0x4A50] =	vst v0  }
0xb0: {  	[tilespmem:$0x4A60] =	vst v0  }
0xb1: {  	[tilespmem:$0x4A70] =	vst v0  }
0xb2: {  	[tilespmem:$0x4A80] =	vst v0  }
0xb3: {  	[tilespmem:$0x4A90] =	vst v0  }
0xb4: {  	[tilespmem:$0x4AA0] =	vst v0  }
0xb5: {  	[tilespmem:$0x4AB0] =	vst v0  }
0xb6: {  	[tilespmem:$0x4AC0] =	vst v0  }
0xb7: {  	[tilespmem:$0x4AD0] =	vst v0  }
0xb8: {  	[tilespmem:$0x4AE0] =	vst v0  }
0xb9: {  	[tilespmem:$0x4AF0] =	vst v0  }
0xba: {  	[tilespmem:$0x4B00] =	vst v0  }
0xbb: {  	[tilespmem:$0x4B10] =	vst v0  }
0xbc: {  	[tilespmem:$0x4B20] =	vst v0  }
0xbd: {  	[tilespmem:$0x4B30] =	vst v0  }
0xbe: {  	[tilespmem:$0x4B40] =	vst v0  }
0xbf: {  	[tilespmem:$0x4B50] =	vst v0  }
0xc0: {  	[tilespmem:$0x4B60] =	vst v0  }
0xc1: {  	[tilespmem:$0x4B70] =	vst v0  }
0xc2: {  	[tilespmem:$0x4B80] =	vst v0  }
0xc3: {  	[tilespmem:$0x4B90] =	vst v0  }
0xc4: {  	[tilespmem:$0x4BA0] =	vst v0  }
0xc5: {  	[tilespmem:$0x4BB0] =	vst v0  }
0xc6: {  	[tilespmem:$0x4BC0] =	vst v0  }
0xc7: {  	[tilespmem:$0x4BD0] =	vst v0  }
0xc8: {  	[tilespmem:$0x4BE0] =	vst v0  }
0xc9: {  	[tilespmem:$0x4BF0] =	vst v0  }
0xca: {  	[tilespmem:$0x4C00] =	vst v0;
	v10 =	vld [tilespmem:$0x0]  }
0xcb: {  	[tilespmem:$0x4C10] =	vst v0  }
0xcc: {  	[tilespmem:$0x4C20] =	vst v0  }
0xcd: {  	[tilespmem:$0x4C30] =	vst v0  }
0xce: {  	[tilespmem:$0x4C40] =	vst v0  }
0xcf: {  	[tilespmem:$0x4C50] =	vst v0  }
0xd0: {  	[tilespmem:$0x4C60] =	vst v0  }
0xd1: {  	[tilespmem:$0x4C70] =	vst v0  }
0xd2: {  	[tilespmem:v10+s10+$0x0] =	vst.idx.msk $0xffff, v1  }
0xd3: {  	v10 =	vld [tilespmem:$0x10];
	_ =	sdelay $0x7  }
0xd4: {  	[tilespmem:v10+s10+$0x0] =	vst.idx.msk $0xffff, v1  }
0xd5: {  	v10 =	vld [tilespmem:$0x20];
	_ =	sdelay $0x7  }
0xd6: {  	[tilespmem:v10+s10+$0x0] =	vst.idx.msk $0xffff, v1  }
0xd7: {  	v10 =	vld [tilespmem:$0x30];
	_ =	sdelay $0x7  }
0xd8: {  	[tilespmem:v10+s10+$0x0] =	vst.idx.msk $0xffff, v1  }
0xd9: {  	v10 =	vld [tilespmem:$0x40];
	_ =	sdelay $0x7  }
0xda: {  	[tilespmem:v10+s10+$0x0] =	vst.idx.msk $0xffff, v1  }
0xdb: {  	v10 =	vld [tilespmem:$0x50];
	_ =	sdelay $0x7  }
0xdc: {  	[tilespmem:v10+s10+$0x0] =	vst.idx.msk $0xffff, v1  }
0xdd: {  	v10 =	vld [tilespmem:$0x60];
	_ =	sdelay $0x7  }
0xde: {  	[tilespmem:v10+s10+$0x0] =	vst.idx.msk $0xffff, v1  }
0xdf: {  	v10 =	vld [tilespmem:$0x70];
	_ =	sdelay $0x7  }
0xe0: {  	[tilespmem:v10+s10+$0x0] =	vst.idx.msk $0xffff, v1  }
0xe1: {  	[hbm4b:s5+s9] =	stream.strided.scatter [tilespmem:s10], [sflag:$0x2], $0xC00, s11, s9, $0x38;
	[tilespmem:$0x4C80] =	vst v63  }
0xe2: {  	_ =	swait.ge [sflag:s8], $0xC00  }
0xe3: {  	[sflag:s8] =	ssyncset.done $0x0  }
0xe4: {  	[sflag:s8] =	ssyncadd.s32 $0xFFFFF400  }
0xe5: {  	_ =	swait.ge [sflag:s12], $0x4000  }
0xe6: {  	[sflag:s12] =	ssyncset.done $0x0  }
0xe7: {  	[sflag:s12] =	ssyncadd.s32 $0xFFFFC000  }
0xe8: {  	v10 =	vld [tilespmem:$0x0];
	_ =	sdelay $0x4  }
0xe9: {  	v10 =	vcvt.s32.f32 v10;
	_ =	sdelay $0x1  }
0xea: {  	[tilespmem:v2+s9+$0x0] =	vst.idx.msk $0xffff, v10  }
0xeb: {  	v10 =	vld [tilespmem:$0x10];
	_ =	sdelay $0x4  }
0xec: {  	v10 =	vcvt.s32.f32 v10;
	_ =	sdelay $0x1  }
0xed: {  	[tilespmem:v3+s9+$0x0] =	vst.idx.msk $0xffff, v10  }
0xee: {  	v10 =	vld [tilespmem:$0x20];
	_ =	sdelay $0x4  }
0xef: {  	v10 =	vcvt.s32.f32 v10;
	_ =	sdelay $0x1  }
0xf0: {  	[tilespmem:v4+s9+$0x0] =	vst.idx.msk $0xffff, v10  }
0xf1: {  	v10 =	vld [tilespmem:$0x30];
	_ =	sdelay $0x4  }
0xf2: {  	v10 =	vcvt.s32.f32 v10;
	_ =	sdelay $0x1  }
0xf3: {  	[tilespmem:v5+s9+$0x0] =	vst.idx.msk $0xffff, v10  }
0xf4: {  	v10 =	vld [tilespmem:$0x40];
	_ =	sdelay $0x4  }
0xf5: {  	v10 =	vcvt.s32.f32 v10;
	_ =	sdelay $0x1  }
0xf6: {  	[tilespmem:v6+s9+$0x0] =	vst.idx.msk $0xffff, v10  }
0xf7: {  	v10 =	vld [tilespmem:$0x50];
	_ =	sdelay $0x4  }
0xf8: {  	v10 =	vcvt.s32.f32 v10;
	_ =	sdelay $0x1  }
0xf9: {  	[tilespmem:v7+s9+$0x0] =	vst.idx.msk $0xffff, v10  }
0xfa: {  	v10 =	vld [tilespmem:$0x60];
	_ =	sdelay $0x4  }
0xfb: {  	v10 =	vcvt.s32.f32 v10;
	_ =	sdelay $0x1  }
0xfc: {  	[tilespmem:v8+s9+$0x0] =	vst.idx.msk $0xffff, v10  }
0xfd: {  	v10 =	vld [tilespmem:$0x70];
	_ =	sdelay $0x4  }
0xfe: {  	v10 =	vcvt.s32.f32 v10  }
0xff: {  	p0 =	sne.s32 s7, $0x1  }
.Ltmp0:
0x100: {  	[tilespmem:v9+s9+$0x0] =	vst.idx.msk $0xffff, v10;
	(pc) =	sbr.rel @p0 .LBB2_1-.Ltmp0, $4  }
0x101: {  	[hbm4b:s6+s2] =	stream.linear.scatter [tilespmem:s9], [sflag:$0x2], $0x4000, $0x38;
	[tilespmem:$0x4C80] =	vst v63  }
0x102: {  	_ =	swait.ge [sflag:s8], $0x4000  }
0x103: {  	[sflag:s8] =	ssyncset.done $0x0  }
0x104: {  	s7 =	sadd.s32 $0xFFFFFFFF, s7;
	[sflag:s8] =	ssyncadd.s32 $0xFFFFC000  }
0x105: {  	_ =	sfence.sel $0x180000  }
0x106: {  	[bflag:$0x0] =	sbarrier.arrive $0xFFFF  }
0x107: {  	p0 =	sne.s32 s0, $0x0;
	_ =	strace $0x90000047  }
0x108: {  	s0 =	sadd.s32 @!p0 $0x100000, s1;
	[bflag:$0x2] =	sbarrier.arrive $0xFFFF  }
0x109: {  	[sflag:s0] =	ssyncadd.tile.s32 @!p0 $0x1;
	_ =	shalt  }
.Lfunc_end2:
_tile_overlayer_lowered:
.L_overlay_start_2:
0x10a: {  	(tag) =	ssettag $0x2  }
0x10b: {  	s0 =	rddreg [dreg:$0x0];
	s2 =	stileid.u32  }
0x10c: {  	s1 =	rddreg [dreg:$0x1];
	p0 =	sne.s32 s2, $0x0  }
0x10d: {  	s3 =	rddreg [dreg:$0x2];
	[bflag:$0x3] =	sbarrier.arrive $0xFFFF;
	s2 =	simm.s32 @!p0 $0x1C02  }
0x10e: {  	[timem:s3], [sflag:s2] =	dma.local @!p0 [hbm:s0], s1  }
0x10f: {  	s0 =	simm.s32 @!p0 $0x2  }
0x110: {  	_ =	swait.ge @!p0 [sflag:s0], s1  }
0x111: {  	s1 =	ssub.s32 @!p0 $0x0, s1;
	[sflag:s0] =	ssyncset.done @!p0 $0x0  }
0x112: {  	[sflag:s0] =	ssyncadd.s32 @!p0 s1  }
0x113: {  	[bflag:$0x3] =	sbarrier.arrive $0xFFFF  }
0x114: {  	_ =	shalt  }

</sc_bundles>
